<compile_context>
chip_gen: v7x
topology: tpu7x:2x2x1
jax: 0.10.2.dev20260603
libtpu: 0.0.44.dev20260713+nightly
codegen_flags: <defaults>
</compile_context>

<pallas_src>
import functools

import jax
import jax.numpy as jnp
from jax import lax
from jax.experimental import pallas as pl
from jax.experimental.pallas import tpu as pltpu
from jax.experimental.pallas import tpu_sc as plsc

H = 1024
SUB = 8
PAD = 3400
BSZ = 16
HALF = PAD // 2
C = 25
CHUNKS = HALF // C
VPR = H // 16
NTYPES = 5
TT_LEN = 1712
TT_BUF = TT_LEN + 16
MASK_LEN = 1712
LANES = 16
LPR = 128 // LANES


@functools.lru_cache(maxsize=4)
def _build_sc_kernel(T):
    mesh = plsc.VectorSubcoreMesh(core_axis_name="c", subcore_axis_name="s")

    @functools.partial(
        pl.kernel,
        mesh=mesh,
        compiler_params=pltpu.CompilerParams(needs_layout_passes=False),
        out_type=[
            jax.ShapeDtypeStruct((BSZ, PAD, SUB, 128), jnp.float32),
            jax.ShapeDtypeStruct((BSZ * 2, 1, MASK_LEN), jnp.int32),
        ],
        scratch_types=[
            pltpu.VMEM((C, SUB, 128), jnp.float32),
            pltpu.VMEM((C, SUB, 128), jnp.float32),
            pltpu.VMEM((C, SUB, 128), jnp.float32),
            pltpu.VMEM((C, SUB, 128), jnp.float32),
            pltpu.VMEM((NTYPES, SUB, 128), jnp.float32),
            pltpu.VMEM((TT_BUF,), jnp.int32),
            pltpu.VMEM((LANES,), jnp.int32),
            pltpu.VMEM((1, MASK_LEN), jnp.int32),
            pltpu.SemaphoreType.DMA,
            pltpu.SemaphoreType.DMA,
            pltpu.SemaphoreType.DMA,
            pltpu.SemaphoreType.DMA,
            pltpu.SemaphoreType.DMA,
        ],
    )
    def sc_kernel(feats, tt, table, nt, out_emb, out_mask,
                  ibuf0, ibuf1, obuf0, obuf1, table_v, tt_v, nt_v, mask_v,
                  si0, si1, so0, so1, sz):
        ibuf = (ibuf0, ibuf1)
        obuf = (obuf0, obuf1)
        si = (si0, si1)
        so = (so0, so1)

        wid = lax.axis_index("s") * 2 + lax.axis_index("c")
        b = wid // 2
        h = wid % 2

        pltpu.sync_copy(nt, nt_v)
        pltpu.sync_copy(table, table_v)

        lanes = lax.iota(jnp.int32, LANES)
        nt_vec = nt_v[...]
        off_vec = lax.cumsum(nt_vec) - nt_vec
        sel = (lanes == b).astype(jnp.int32)
        n = jnp.sum(sel * nt_vec)
        off = jnp.sum(sel * off_vec)

        start = off + h * HALF
        a_start = start - (start % 8)
        a_start = jnp.clip(a_start, 0, T - TT_LEN)
        a_start = pl.multiple_of(a_start, 8)
        s0 = start - a_start
        pltpu.sync_copy(tt.at[pl.ds(a_start, TT_LEN)], tt_v.at[pl.ds(0, TT_LEN)])

        def mask_body(g, carry):
            p = h * HALF + g * LANES + lanes
            mask_v[0, pl.ds(g * LANES, LANES)] = (p < n).astype(jnp.int32)
            return carry
        lax.fori_loop(0, MASK_LEN // LANES, mask_body, 0)
        pltpu.sync_copy(mask_v, out_mask.at[wid])

        nv = jnp.clip(n - h * HALF, 0, HALF)
        n_a = (nv + C - 1) // C
        n_a = n_a * 0

        def in_copy(j, k):
            src = jnp.clip(off + h * HALF + j * C, 0, T - C)
            return pltpu.make_async_copy(feats.at[pl.ds(src, C)], ibuf[k], si[k])

        def out_copy(j, k, src_buf):
            p0 = h * HALF + j * C
            return pltpu.make_async_copy(src_buf, out_emb.at[b, pl.ds(p0, C)],
                                         so[k] if k is not None else sz)

        zero = jnp.zeros((LANES,), jnp.float32)

        def compute(j, ib, ob):
            v = jnp.clip(n - (h * HALF + j * C), 0, C)
            q = s0 + j * C
            w0 = tt_v[pl.ds(q, LANES)]
            w1 = tt_v[pl.ds(q + C - LANES, LANES)]
            mn = jnp.min(jnp.minimum(w0, w1))
            mx = jnp.max(jnp.maximum(w0, w1))
            uniform = mn == mx
            tt_u = jnp.clip(mn, 0, NTYPES - 1)

            @pl.when(uniform)
            def _():
                trow = table_v.at[tt_u]

                @plsc.parallel_loop(0, v * VPR, unroll=8)
                def _(t):
                    i = t // VPR
                    c = t % VPR
                    g = c // LPR
                    sl = pl.ds((c % LPR) * LANES, LANES)
                    ob[i, g, sl] = ib[i, g, sl] + trow[g, sl]

            @pl.when(jnp.logical_not(uniform))
            def _():
                def row_body(i, rcarry):
                    w = tt_v[pl.ds(jnp.minimum(q + i, TT_BUF - LANES), LANES)]
                    tt_s = jnp.sum(jnp.where(lanes == 0, w, 0))
                    tt_s = jnp.clip(tt_s, 0, NTYPES - 1)
                    trow = table_v.at[tt_s]

                    @plsc.parallel_loop(0, VPR, unroll=8)
                    def _(c):
                        g = c // LPR
                        sl = pl.ds((c % LPR) * LANES, LANES)
                        ob[i, g, sl] = ib[i, g, sl] + trow[g, sl]
                    return rcarry
                lax.fori_loop(0, v, row_body, 0)

            @plsc.parallel_loop(v * VPR, C * VPR, unroll=8)
            def _(t):
                i = t // VPR
                c = t % VPR
                g = c // LPR
                sl = pl.ds((c % LPR) * LANES, LANES)
                ob[i, g, sl] = zero

        @pl.when(n_a > 0)
        def _():
            in_copy(0, 0).start()

        def a_body(j2, carry):
            for k in range(2):
                j = j2 * 2 + k
                k1 = (k + 1) % 2

                @pl.when(j < n_a)
                def _():
                    @pl.when(j + 1 < n_a)
                    def _():
                        in_copy(j + 1, k1).start()
                    in_copy(j, k).wait()

                    @pl.when(j >= 2)
                    def _():
                        out_copy(j - 2, k, obuf[k]).wait()
                    compute(j, ibuf[k], obuf[k])
                    out_copy(j, k, obuf[k]).start()
            return carry
        lax.fori_loop(0, (CHUNKS + 1) // 2, a_body, 0)

        for k in range(2):
            last_has_k = ((n_a - 1) % 2 == k) & (n_a >= 1)
            prev_has_k = ((n_a - 2) % 2 == k) & (n_a >= 2)

            @pl.when(last_has_k | prev_has_k)
            def _(k=k):
                out_copy(0, k, obuf[k]).wait()

        @pl.when(n_a < CHUNKS)
        def _():
            @plsc.parallel_loop(0, C * VPR, unroll=8)
            def _(t):
                i = t // VPR
                c = t % VPR
                g = c // LPR
                sl = pl.ds((c % LPR) * LANES, LANES)
                obuf0[i, g, sl] = zero

            def fire(j, carry):
                out_copy(j, None, obuf0).start()
                return carry
            lax.fori_loop(n_a, CHUNKS, fire, 0)

            def drain(j, carry):
                out_copy(0, None, obuf0).wait()
                return carry
            lax.fori_loop(n_a, CHUNKS, drain, 0)

    return sc_kernel


def kernel(input_feats, token_table, token_type_ids, batch_ids, pos_ids, num_tokens):
    del batch_ids, pos_ids
    T = input_feats.shape[0]
    feats = input_feats.astype(jnp.float32).reshape(T, SUB, 128)
    table = token_table.astype(jnp.float32).reshape(NTYPES, SUB, 128)
    tt = token_type_ids.astype(jnp.int32)
    nt = num_tokens.astype(jnp.int32)
    emb4, mask_i = _build_sc_kernel(T)(feats, tt, table, nt)
    emb = emb4.reshape(BSZ, PAD, H)
    mask = (mask_i.reshape(BSZ, 2, MASK_LEN)[:, :, :HALF] != 0).reshape(BSZ, PAD)
    return emb, mask

# --- scband reference (transcript-rebuilt; emitter-appended) ---
"""Pipeline reference for scband-visual-token-padding-58643483459631 (READ-ONLY COPY).

The authoritative reference and input builder live on the scoring server;
editing this copy changes nothing except your own understanding.
"""

import jax, jax.numpy as jnp
import numpy as np

NUM_SAMPLE = 10
HIDDEN = 1024
BSZ = 16


def _counts():
    # deterministic ragged structure: (n_obj, n_rel, n_frame, n_action) per batch element
    return [(60 + 10 * b, 40 + 5 * b, 100, 50) for b in range(BSZ)]


def setup_inputs(seed: int = 0) -> dict:
    key = jax.random.key(seed)
    counts = _counts()
    num_tokens = np.array([(o + r) * NUM_SAMPLE + f + a for (o, r, f, a) in counts], dtype=np.int64)
    tt, batch_ids, pos_ids = [], [], []
    for b, (o, r, f, a) in enumerate(counts):
        ids = np.concatenate([
            np.ones(o * NUM_SAMPLE, dtype=np.int64),
            2 * np.ones(r * NUM_SAMPLE, dtype=np.int64),
            3 * np.ones(f, dtype=np.int64),
            4 * np.ones(a, dtype=np.int64),
        ])
        tt.append(ids)
        batch_ids.append(np.full(ids.shape[0], b, dtype=np.int64))
        pos_ids.append(np.arange(ids.shape[0], dtype=np.int64))
    token_type_ids = jnp.asarray(np.concatenate(tt))
    batch_ids = jnp.asarray(np.concatenate(batch_ids))
    pos_ids = jnp.asarray(np.concatenate(pos_ids))
    T = int(num_tokens.sum())
    k1, k2 = jax.random.split(key)
    input_feats = jax.random.normal(k1, (T, HIDDEN), dtype=jnp.float32)
    # token_type_embeddings table; sized 5 so type ids 1..4 are in range
    token_table = jax.random.normal(k2, (5, HIDDEN), dtype=jnp.float32) * 0.02
    return {
        "input_feats": input_feats,
        "token_table": token_table,
        "token_type_ids": token_type_ids,
        "batch_ids": batch_ids,
        "pos_ids": pos_ids,
        "num_tokens": jnp.asarray(num_tokens),
    }


def reference(input_feats, token_table, token_type_ids, batch_ids, pos_ids, num_tokens):
    bsz = num_tokens.shape[0]
    pad_len = max((o + r) * NUM_SAMPLE + f + a for (o, r, f, a) in _counts())
    d = input_feats.shape[1]
    # pad_sequence(input_feats.split(num_tokens)) == scatter flat tokens into [bsz, pad_len, d]
    visual_tokens = jnp.zeros((bsz, pad_len, d), dtype=input_feats.dtype).at[batch_ids, pos_ids].set(input_feats)
    # token-type embedding lookup (gather) then pad-scatter
    tok_emb = jnp.take(token_table, token_type_ids, axis=0)
    type_emb = jnp.zeros((bsz, pad_len, d), dtype=input_feats.dtype).at[batch_ids, pos_ids].set(tok_emb)
    non_pad_mask = jnp.arange(pad_len)[None, :] < num_tokens[:, None]
    embeddings = visual_tokens + type_emb
    return embeddings, non_pad_mask

if __name__ == "__main__":
    import jax
    _d = setup_inputs()
    print(jax.jit(kernel)(*tuple(_d.values())))

</pallas_src>

<mosaic_0001>
#map = affine_map<(d0, d1) -> (0, 0, 0)>
#map1 = affine_map<(d0, d1) -> (0)>
#map2 = affine_map<(d0, d1) -> (0, 0, 0, 0)>
module attributes {stable_mosaic.version = 14 : i64} {
  func.func @sc_kernel(%arg0: i32, %arg1: i32, %arg2: memref<36400x8x128xf32, #tpu.memory_space<hbm>>, %arg3: memref<36400xi32, #tpu.memory_space<hbm>>, %arg4: memref<5x8x128xf32, #tpu.memory_space<hbm>>, %arg5: memref<16xi32, #tpu.memory_space<hbm>>, %arg6: memref<16x3400x8x128xf32, #tpu.memory_space<hbm>>, %arg7: memref<32x1x1712xi32, #tpu.memory_space<hbm>>, %arg8: memref<25x8x128xf32, #tpu.memory_space<vmem>>, %arg9: memref<25x8x128xf32, #tpu.memory_space<vmem>>, %arg10: memref<25x8x128xf32, #tpu.memory_space<vmem>>, %arg11: memref<25x8x128xf32, #tpu.memory_space<vmem>>, %arg12: memref<5x8x128xf32, #tpu.memory_space<vmem>>, %arg13: memref<1728xi32, #tpu.memory_space<vmem>>, %arg14: memref<16xi32, #tpu.memory_space<vmem>>, %arg15: memref<1x1712xi32, #tpu.memory_space<vmem>>, %arg16: memref<!tpu.dma_semaphore, #tpu.memory_space<semaphore_mem>>, %arg17: memref<!tpu.dma_semaphore, #tpu.memory_space<semaphore_mem>>, %arg18: memref<!tpu.dma_semaphore, #tpu.memory_space<semaphore_mem>>, %arg19: memref<!tpu.dma_semaphore, #tpu.memory_space<semaphore_mem>>, %arg20: memref<!tpu.dma_semaphore, #tpu.memory_space<semaphore_mem>>) attributes {dimension_semantics = [#tpu.dimension_semantics<core_parallel>, #tpu.dimension_semantics<subcore_parallel>], iteration_bounds = array<i64: 2, 16>, scalar_prefetch = 0 : i64, scratch_operands = 13 : i64, tpu.core_type = #tpu.core_type<sc_vector_subcore>, window_params = [{transform_indices = #map}, {transform_indices = #map1}, {transform_indices = #map}, {transform_indices = #map1}, {transform_indices = #map2}, {transform_indices = #map}]} {
    %mul3A = arith.constant 2 : i32
    %mul3A_0 = arith.muli %arg1, %mul3A : i32
    %add3A = arith.addi %mul3A_0, %arg0 : i32
    %jit3A = arith.constant 2 : i32
    %div3A = arith.divsi %add3A, %jit3A : i32
    %sign3A = arith.constant 0 : i32
    %sign3A_1 = arith.cmpi sgt, %add3A, %sign3A : i32
    %sign3A_2 = arith.extui %sign3A_1 : i1 to i32
    %sign3A_3 = arith.constant 0 : i32
    %sign3A_4 = arith.cmpi slt, %add3A, %sign3A_3 : i32
    %sign3A_5 = arith.extui %sign3A_4 : i1 to i32
    %sign3A_6 = arith.subi %sign3A_2, %sign3A_5 : i32
    %sign3A_7 = arith.constant 0 : i32
    %sign3A_8 = arith.cmpi sgt, %jit3A, %sign3A_7 : i32
    %sign3A_9 = arith.extui %sign3A_8 : i1 to i32
    %sign3A_10 = arith.constant 0 : i32
    %sign3A_11 = arith.cmpi slt, %jit3A, %sign3A_10 : i32
    %sign3A_12 = arith.extui %sign3A_11 : i1 to i32
    %sign3A_13 = arith.subi %sign3A_9, %sign3A_12 : i32
    %ne3A = arith.cmpi ne, %sign3A_6, %sign3A_13 : i32
    %rem3A = arith.remsi %add3A, %jit3A : i32
    %ne3A_14 = arith.constant 0 : i32
    %ne3A_15 = arith.cmpi ne, %rem3A, %ne3A_14 : i32
    %and3A = arith.andi %ne3A, %ne3A_15 : i1
    %sub3A = arith.constant 1 : i32
    %sub3A_16 = arith.subi %div3A, %sub3A : i32
    %select_n3A = arith.select %and3A, %sub3A_16, %div3A : i32
    %jit3A_17 = arith.constant 2 : i32
    %eq3A = arith.constant 0 : i32
    %eq3A_18 = arith.cmpi eq, %jit3A_17, %eq3A : i32
    %jit3A_19 = arith.constant 1 : i32
    %select_n3A_20 = arith.select %eq3A_18, %jit3A_19, %jit3A_17 : i32
    %rem3A_21 = arith.remsi %add3A, %select_n3A_20 : i32
    %ne3A_22 = arith.constant 0 : i32
    %ne3A_23 = arith.cmpi ne, %rem3A_21, %ne3A_22 : i32
    %lt3A = arith.constant 0 : i32
    %lt3A_24 = arith.cmpi slt, %rem3A_21, %lt3A : i32
    %lt3A_25 = arith.constant 0 : i32
    %lt3A_26 = arith.cmpi slt, %select_n3A_20, %lt3A_25 : i32
    %ne3A_27 = arith.xori %lt3A_24, %lt3A_26 : i1
    %and3A_28 = arith.andi %ne3A_27, %ne3A_23 : i1
    %add3A_29 = arith.addi %rem3A_21, %select_n3A_20 : i32
    %select_n3A_30 = arith.select %and3A_28, %add3A_29, %rem3A_21 : i32
    "tpu.region"() ({
      %run_scoped3A = tpu.sem_alloc : memref<!tpu.dma_semaphore, #tpu.memory_space<semaphore_mem>>
      tpu.enqueue_dma source(%arg5 : memref<16xi32, #tpu.memory_space<hbm>>) target(%arg14 : memref<16xi32, #tpu.memory_space<vmem>>) target_semaphore(%run_scoped3A : memref<!tpu.dma_semaphore, #tpu.memory_space<semaphore_mem>>)
      tpu.wait_dma2 semaphore(%run_scoped3A : memref<!tpu.dma_semaphore, #tpu.memory_space<semaphore_mem>>) src(%arg5 : memref<16xi32, #tpu.memory_space<hbm>>) dst(%arg14 : memref<16xi32, #tpu.memory_space<vmem>>)
      tpu.yield
    }) : () -> ()
    "tpu.region"() ({
      %run_scoped3A = tpu.sem_alloc : memref<!tpu.dma_semaphore, #tpu.memory_space<semaphore_mem>>
      tpu.enqueue_dma source(%arg4 : memref<5x8x128xf32, #tpu.memory_space<hbm>>) target(%arg12 : memref<5x8x128xf32, #tpu.memory_space<vmem>>) target_semaphore(%run_scoped3A : memref<!tpu.dma_semaphore, #tpu.memory_space<semaphore_mem>>)
      tpu.wait_dma2 semaphore(%run_scoped3A : memref<!tpu.dma_semaphore, #tpu.memory_space<semaphore_mem>>) src(%arg4 : memref<5x8x128xf32, #tpu.memory_space<hbm>>) dst(%arg12 : memref<5x8x128xf32, #tpu.memory_space<vmem>>)
      tpu.yield
    }) : () -> ()
    %iota3A = tpu.iota {dimensions = array<i32: 0>} : vector<16xi32>
    %get3A = arith.constant 0 : index
    %get3A_31 = tpu.vector_load %arg14[%get3A] {strides = array<i32>} : memref<16xi32, #tpu.memory_space<vmem>>, vector<16xi32>,
    %cumsum3A = arith.constant true
    %cumsum3A_32 = vector.broadcast %cumsum3A : i1 to vector<16xi1>
    %cumsum3A_33 = tpu.scan <sum>, %get3A_31 masked %cumsum3A_32 : vector<16xi32>, vector<16xi1> -> vector<16xi32>
    %sub3A_34 = arith.subi %cumsum3A_33, %get3A_31 : vector<16xi32>
    %eq3A_35 = vector.broadcast %select_n3A : i32 to vector<16xi32>
    %eq3A_36 = arith.cmpi eq, %iota3A, %eq3A_35 : vector<16xi32>
    %convert_element_type3A = arith.extui %eq3A_36 : vector<16xi1> to vector<16xi32>
    %mul3A_37 = arith.muli %convert_element_type3A, %get3A_31 : vector<16xi32>
    %reduce_sum3A = arith.constant true
    %reduce_sum3A_38 = vector.broadcast %reduce_sum3A : i1 to vector<16xi1>
    %reduce_sum3A_39 = tpu.scan <sum>, %mul3A_37 masked %reduce_sum3A_38 : vector<16xi32>, vector<16xi1> -> vector<16xi32>
    %reduce_sum3A_40 = vector.extract %reduce_sum3A_39[15] : i32 from vector<16xi32>
    %mul3A_41 = arith.muli %convert_element_type3A, %sub3A_34 : vector<16xi32>
    %reduce_sum3A_42 = arith.constant true
    %reduce_sum3A_43 = vector.broadcast %reduce_sum3A_42 : i1 to vector<16xi1>
    %reduce_sum3A_44 = tpu.scan <sum>, %mul3A_41 masked %reduce_sum3A_43 : vector<16xi32>, vector<16xi1> -> vector<16xi32>
    %reduce_sum3A_45 = vector.extract %reduce_sum3A_44[15] : i32 from vector<16xi32>
    %mul3A_46 = arith.constant 1700 : i32
    %mul3A_47 = arith.muli %select_n3A_30, %mul3A_46 : i32
    %add3A_48 = arith.addi %reduce_sum3A_45, %mul3A_47 : i32
    %jit3A_49 = arith.constant 8 : i32
    %eq3A_50 = arith.constant 0 : i32
    %eq3A_51 = arith.cmpi eq, %jit3A_49, %eq3A_50 : i32
    %jit3A_52 = arith.constant 1 : i32
    %select_n3A_53 = arith.select %eq3A_51, %jit3A_52, %jit3A_49 : i32
    %rem3A_54 = arith.remsi %add3A_48, %select_n3A_53 : i32
    %ne3A_55 = arith.constant 0 : i32
    %ne3A_56 = arith.cmpi ne, %rem3A_54, %ne3A_55 : i32
    %lt3A_57 = arith.constant 0 : i32
    %lt3A_58 = arith.cmpi slt, %rem3A_54, %lt3A_57 : i32
    %lt3A_59 = arith.constant 0 : i32
    %lt3A_60 = arith.cmpi slt, %select_n3A_53, %lt3A_59 : i32
    %ne3A_61 = arith.xori %lt3A_58, %lt3A_60 : i1
    %and3A_62 = arith.andi %ne3A_61, %ne3A_56 : i1
    %add3A_63 = arith.addi %rem3A_54, %select_n3A_53 : i32
    %select_n3A_64 = arith.select %and3A_62, %add3A_63, %rem3A_54 : i32
    %sub3A_65 = arith.subi %add3A_48, %select_n3A_64 : i32
    %jit3A_66 = arith.constant 0 : i32
    %jit3A_67 = arith.constant 34688 : i32
    %max3A = arith.maxsi %jit3A_66, %sub3A_65 : i32
    %min3A = arith.minsi %jit3A_67, %max3A : i32
    %multiple_of3A = tpu.assume_multiple %min3A, 8 : i32
    %sub3A_68 = arith.subi %add3A_48, %multiple_of3A : i32
    "tpu.region"() ({
      %run_scoped3A = tpu.sem_alloc : memref<!tpu.dma_semaphore, #tpu.memory_space<semaphore_mem>>
      %dma_start3A = arith.constant 0 : i32
      %dma_start3A_224 = tpu.memref_slice %arg13[%dma_start3A] : memref<1728xi32, #tpu.memory_space<vmem>> -> memref<1712xi32, #tpu.memory_space<vmem>>
      %dma_start3A_225 = tpu.memref_slice %arg3[%multiple_of3A] : memref<36400xi32, #tpu.memory_space<hbm>> -> memref<1712xi32, #tpu.memory_space<hbm>>
      %dma_start3A_226 = arith.constant 0 : i32
      %dma_start3A_227 = tpu.memref_slice %arg13[%dma_start3A_226] : memref<1728xi32, #tpu.memory_space<vmem>> -> memref<1712xi32, #tpu.memory_space<vmem>>
      %dma_start3A_228 = tpu.memref_slice %arg3[%multiple_of3A] : memref<36400xi32, #tpu.memory_space<hbm>> -> memref<1712xi32, #tpu.memory_space<hbm>>
      tpu.enqueue_dma source(%dma_start3A_228 : memref<1712xi32, #tpu.memory_space<hbm>>) target(%dma_start3A_227 : memref<1712xi32, #tpu.memory_space<vmem>>) target_semaphore(%run_scoped3A : memref<!tpu.dma_semaphore, #tpu.memory_space<semaphore_mem>>)
      %dma_wait3A = arith.constant 0 : i32
      %dma_wait3A_229 = tpu.memref_slice %arg13[%dma_wait3A] : memref<1728xi32, #tpu.memory_space<vmem>> -> memref<1712xi32, #tpu.memory_space<vmem>>
      %dma_wait3A_230 = tpu.memref_slice %arg3[%multiple_of3A] : memref<36400xi32, #tpu.memory_space<hbm>> -> memref<1712xi32, #tpu.memory_space<hbm>>
      %dma_wait3A_231 = arith.constant 0 : i32
      %dma_wait3A_232 = tpu.memref_slice %arg13[%dma_wait3A_231] : memref<1728xi32, #tpu.memory_space<vmem>> -> memref<1712xi32, #tpu.memory_space<vmem>>
      %dma_wait3A_233 = tpu.memref_slice %arg3[%multiple_of3A] : memref<36400xi32, #tpu.memory_space<hbm>> -> memref<1712xi32, #tpu.memory_space<hbm>>
      tpu.wait_dma2 semaphore(%run_scoped3A : memref<!tpu.dma_semaphore, #tpu.memory_space<semaphore_mem>>) src(%dma_wait3A_233 : memref<1712xi32, #tpu.memory_space<hbm>>) dst(%dma_wait3A_232 : memref<1712xi32, #tpu.memory_space<vmem>>)
      tpu.yield
    }) : () -> ()
    %scan3A = arith.constant 0 : i32
    %scan3A_69 = arith.constant 0 : i32
    %scan3A_70 = arith.constant 107 : i32
    %scan3A_71 = arith.addi %scan3A_69, %scan3A_70 : i32
    %scan3A_72 = arith.constant 1 : i32
    scf.for %scan3A_224 = %scan3A_69 to %scan3A_71 step %scan3A_72  : i32 {
      %mul3A_225 = arith.constant 1700 : i32
      %mul3A_226 = arith.muli %select_n3A_30, %mul3A_225 : i32
      %mul3A_227 = arith.constant 16 : i32
      %mul3A_228 = arith.muli %scan3A_224, %mul3A_227 : i32
      %add3A_229 = arith.addi %mul3A_226, %mul3A_228 : i32
      %add3A_230 = vector.broadcast %add3A_229 : i32 to vector<16xi32>
      %add3A_231 = arith.addi %add3A_230, %iota3A : vector<16xi32>
      %lt3A_232 = vector.broadcast %reduce_sum3A_40 : i32 to vector<16xi32>
      %lt3A_233 = arith.cmpi slt, %add3A_231, %lt3A_232 : vector<16xi32>
      %convert_element_type3A_234 = arith.extui %lt3A_233 : vector<16xi1> to vector<16xi32>
      %mul3A_235 = arith.constant 16 : i32
      %mul3A_236 = arith.muli %scan3A_224, %mul3A_235 : i32
      %swap3A = arith.constant 0 : i32
      %swap3A_237 = arith.index_cast %swap3A : i32 to index
      %swap3A_238 = arith.index_cast %mul3A_236 : i32 to index
      %swap3A_239 = tpu.vector_load %arg15[%swap3A_237, %swap3A_238] {strides = array<i32>} : memref<1x1712xi32, #tpu.memory_space<vmem>>, vector<16xi32>,
      tpu.vector_store %arg15[%swap3A_237, %swap3A_238], %convert_element_type3A_234 {strides = array<i32>} : memref<1x1712xi32, #tpu.memory_space<vmem>>, vector<16xi32>,
    }
    %scan3A_73 = arith.constant 107 : i32
    "tpu.region"() ({
      %run_scoped3A = tpu.sem_alloc : memref<!tpu.dma_semaphore, #tpu.memory_space<semaphore_mem>>
      %dma_start3A = arith.constant 0 : i32
      %dma_start3A_224 = arith.constant 0 : i32
      %dma_start3A_225 = tpu.memref_slice %arg7[%add3A, %dma_start3A, %dma_start3A_224] : memref<32x1x1712xi32, #tpu.memory_space<hbm>> -> memref<1x1x1712xi32, #tpu.memory_space<hbm>>
      %dma_start3A_226 = tpu.memref_squeeze %dma_start3A_225 : memref<1x1x1712xi32, #tpu.memory_space<hbm>> -> memref<1x1712xi32, #tpu.memory_space<hbm>>
      %dma_start3A_227 = arith.constant 0 : i32
      %dma_start3A_228 = arith.constant 0 : i32
      %dma_start3A_229 = tpu.memref_slice %arg7[%add3A, %dma_start3A_227, %dma_start3A_228] : memref<32x1x1712xi32, #tpu.memory_space<hbm>> -> memref<1x1x1712xi32, #tpu.memory_space<hbm>>
      %dma_start3A_230 = tpu.memref_squeeze %dma_start3A_229 : memref<1x1x1712xi32, #tpu.memory_space<hbm>> -> memref<1x1712xi32, #tpu.memory_space<hbm>>
      tpu.enqueue_dma source(%arg15 : memref<1x1712xi32, #tpu.memory_space<vmem>>) target(%dma_start3A_230 : memref<1x1712xi32, #tpu.memory_space<hbm>>) target_semaphore(%run_scoped3A : memref<!tpu.dma_semaphore, #tpu.memory_space<semaphore_mem>>)
      %dma_wait3A = arith.constant 0 : i32
      %dma_wait3A_231 = arith.constant 0 : i32
      %dma_wait3A_232 = tpu.memref_slice %arg7[%add3A, %dma_wait3A, %dma_wait3A_231] : memref<32x1x1712xi32, #tpu.memory_space<hbm>> -> memref<1x1x1712xi32, #tpu.memory_space<hbm>>
      %dma_wait3A_233 = tpu.memref_squeeze %dma_wait3A_232 : memref<1x1x1712xi32, #tpu.memory_space<hbm>> -> memref<1x1712xi32, #tpu.memory_space<hbm>>
      %dma_wait3A_234 = arith.constant 0 : i32
      %dma_wait3A_235 = arith.constant 0 : i32
      %dma_wait3A_236 = tpu.memref_slice %arg7[%add3A, %dma_wait3A_234, %dma_wait3A_235] : memref<32x1x1712xi32, #tpu.memory_space<hbm>> -> memref<1x1x1712xi32, #tpu.memory_space<hbm>>
      %dma_wait3A_237 = tpu.memref_squeeze %dma_wait3A_236 : memref<1x1x1712xi32, #tpu.memory_space<hbm>> -> memref<1x1712xi32, #tpu.memory_space<hbm>>
      tpu.wait_dma2 semaphore(%run_scoped3A : memref<!tpu.dma_semaphore, #tpu.memory_space<semaphore_mem>>) src(%arg15 : memref<1x1712xi32, #tpu.memory_space<vmem>>) dst(%dma_wait3A_237 : memref<1x1712xi32, #tpu.memory_space<hbm>>)
      tpu.yield
    }) : () -> ()
    %mul3A_74 = arith.constant 1700 : i32
    %mul3A_75 = arith.muli %select_n3A_30, %mul3A_74 : i32
    %sub3A_76 = arith.subi %reduce_sum3A_40, %mul3A_75 : i32
    %jit3A_77 = arith.constant 0 : i32
    %jit3A_78 = arith.constant 1700 : i32
    %max3A_79 = arith.maxsi %jit3A_77, %sub3A_76 : i32
    %min3A_80 = arith.minsi %jit3A_78, %max3A_79 : i32
    %add3A_81 = arith.constant 25 : i32
    %add3A_82 = arith.addi %min3A_80, %add3A_81 : i32
    %sub3A_83 = arith.constant 1 : i32
    %sub3A_84 = arith.subi %add3A_82, %sub3A_83 : i32
    %jit3A_85 = arith.constant 25 : i32
    %div3A_86 = arith.divsi %sub3A_84, %jit3A_85 : i32
    %sign3A_87 = arith.constant 0 : i32
    %sign3A_88 = arith.cmpi sgt, %sub3A_84, %sign3A_87 : i32
    %sign3A_89 = arith.extui %sign3A_88 : i1 to i32
    %sign3A_90 = arith.constant 0 : i32
    %sign3A_91 = arith.cmpi slt, %sub3A_84, %sign3A_90 : i32
    %sign3A_92 = arith.extui %sign3A_91 : i1 to i32
    %sign3A_93 = arith.subi %sign3A_89, %sign3A_92 : i32
    %sign3A_94 = arith.constant 0 : i32
    %sign3A_95 = arith.cmpi sgt, %jit3A_85, %sign3A_94 : i32
    %sign3A_96 = arith.extui %sign3A_95 : i1 to i32
    %sign3A_97 = arith.constant 0 : i32
    %sign3A_98 = arith.cmpi slt, %jit3A_85, %sign3A_97 : i32
    %sign3A_99 = arith.extui %sign3A_98 : i1 to i32
    %sign3A_100 = arith.subi %sign3A_96, %sign3A_99 : i32
    %ne3A_101 = arith.cmpi ne, %sign3A_93, %sign3A_100 : i32
    %rem3A_102 = arith.remsi %sub3A_84, %jit3A_85 : i32
    %ne3A_103 = arith.constant 0 : i32
    %ne3A_104 = arith.cmpi ne, %rem3A_102, %ne3A_103 : i32
    %and3A_105 = arith.andi %ne3A_101, %ne3A_104 : i1
    %sub3A_106 = arith.constant 1 : i32
    %sub3A_107 = arith.subi %div3A_86, %sub3A_106 : i32
    %select_n3A_108 = arith.select %and3A_105, %sub3A_107, %div3A_86 : i32
    %mul3A_109 = arith.constant 0 : i32
    %mul3A_110 = arith.muli %select_n3A_108, %mul3A_109 : i32
    %broadcast_in_dim3A = arith.constant 0.000000e+00 : f32
    %broadcast_in_dim3A_111 = vector.broadcast %broadcast_in_dim3A : f32 to vector<16xf32>
    %gt3A = arith.constant 0 : i32
    %gt3A_112 = arith.cmpi sgt, %mul3A_110, %gt3A : i32
    %convert_element_type3A_113 = arith.extui %gt3A_112 : i1 to i32
    %cond3A = arith.constant 0 : i32
    %cond3A_114 = arith.cmpi ne, %convert_element_type3A_113, %cond3A : i32
    scf.if %cond3A_114 {
      %mul3A_224 = arith.constant 1700 : i32
      %mul3A_225 = arith.muli %select_n3A_30, %mul3A_224 : i32
      %add3A_226 = arith.addi %reduce_sum3A_45, %mul3A_225 : i32
      %add3A_227 = arith.constant 0 : i32
      %add3A_228 = arith.addi %add3A_226, %add3A_227 : i32
      %jit3A_229 = arith.constant 0 : i32
      %jit3A_230 = arith.constant 36375 : i32
      %max3A_231 = arith.maxsi %jit3A_229, %add3A_228 : i32
      %min3A_232 = arith.minsi %jit3A_230, %max3A_231 : i32
      %dma_start3A = arith.constant 0 : i32
      %dma_start3A_233 = arith.constant 0 : i32
      %dma_start3A_234 = tpu.memref_slice %arg2[%min3A_232, %dma_start3A, %dma_start3A_233] : memref<36400x8x128xf32, #tpu.memory_space<hbm>> -> memref<25x8x128xf32, #tpu.memory_space<hbm>>
      %dma_start3A_235 = arith.constant 0 : i32
      %dma_start3A_236 = arith.constant 0 : i32
      %dma_start3A_237 = tpu.memref_slice %arg2[%min3A_232, %dma_start3A_235, %dma_start3A_236] : memref<36400x8x128xf32, #tpu.memory_space<hbm>> -> memref<25x8x128xf32, #tpu.memory_space<hbm>>
      tpu.enqueue_dma source(%dma_start3A_237 : memref<25x8x128xf32, #tpu.memory_space<hbm>>) target(%arg8 : memref<25x8x128xf32, #tpu.memory_space<vmem>>) target_semaphore(%arg16 : memref<!tpu.dma_semaphore, #tpu.memory_space<semaphore_mem>>)
    } else {
    }
    %scan3A_115 = arith.constant 0 : i32
    %scan3A_116 = arith.constant 0 : i32
    %scan3A_117 = arith.constant 34 : i32
    %scan3A_118 = arith.addi %scan3A_116, %scan3A_117 : i32
    %scan3A_119 = arith.constant 1 : i32
    scf.for %scan3A_224 = %scan3A_116 to %scan3A_118 step %scan3A_119  : i32 {
      %mul3A_225 = arith.constant 2 : i32
      %mul3A_226 = arith.muli %scan3A_224, %mul3A_225 : i32
      %add3A_227 = arith.constant 0 : i32
      %add3A_228 = arith.addi %mul3A_226, %add3A_227 : i32
      %lt3A_229 = arith.cmpi slt, %add3A_228, %mul3A_110 : i32
      %convert_element_type3A_230 = arith.extui %lt3A_229 : i1 to i32
      %cond3A_231 = arith.constant 0 : i32
      %cond3A_232 = arith.cmpi ne, %convert_element_type3A_230, %cond3A_231 : i32
      scf.if %cond3A_232 {
        %add3A_241 = arith.constant 1 : i32
        %add3A_242 = arith.addi %add3A_228, %add3A_241 : i32
        %lt3A_243 = arith.cmpi slt, %add3A_242, %mul3A_110 : i32
        %convert_element_type3A_244 = arith.extui %lt3A_243 : i1 to i32
        %cond3A_245 = arith.constant 0 : i32
        %cond3A_246 = arith.cmpi ne, %convert_element_type3A_244, %cond3A_245 : i32
        scf.if %cond3A_246 {
          %add3A_331 = arith.constant 1 : i32
          %add3A_332 = arith.addi %add3A_228, %add3A_331 : i32
          %mul3A_333 = arith.constant 1700 : i32
          %mul3A_334 = arith.muli %select_n3A_30, %mul3A_333 : i32
          %add3A_335 = arith.addi %reduce_sum3A_45, %mul3A_334 : i32
          %mul3A_336 = arith.constant 25 : i32
          %mul3A_337 = arith.muli %add3A_332, %mul3A_336 : i32
          %add3A_338 = arith.addi %add3A_335, %mul3A_337 : i32
          %jit3A_339 = arith.constant 0 : i32
          %jit3A_340 = arith.constant 36375 : i32
          %max3A_341 = arith.maxsi %jit3A_339, %add3A_338 : i32
          %min3A_342 = arith.minsi %jit3A_340, %max3A_341 : i32
          %dma_start3A_343 = arith.constant 0 : i32
          %dma_start3A_344 = arith.constant 0 : i32
          %dma_start3A_345 = tpu.memref_slice %arg2[%min3A_342, %dma_start3A_343, %dma_start3A_344] : memref<36400x8x128xf32, #tpu.memory_space<hbm>> -> memref<25x8x128xf32, #tpu.memory_space<hbm>>
          %dma_start3A_346 = arith.constant 0 : i32
          %dma_start3A_347 = arith.constant 0 : i32
          %dma_start3A_348 = tpu.memref_slice %arg2[%min3A_342, %dma_start3A_346, %dma_start3A_347] : memref<36400x8x128xf32, #tpu.memory_space<hbm>> -> memref<25x8x128xf32, #tpu.memory_space<hbm>>
          tpu.enqueue_dma source(%dma_start3A_348 : memref<25x8x128xf32, #tpu.memory_space<hbm>>) target(%arg9 : memref<25x8x128xf32, #tpu.memory_space<vmem>>) target_semaphore(%arg17 : memref<!tpu.dma_semaphore, #tpu.memory_space<semaphore_mem>>)
        } else {
        }
        %mul3A_247 = arith.constant 1700 : i32
        %mul3A_248 = arith.muli %select_n3A_30, %mul3A_247 : i32
        %add3A_249 = arith.addi %reduce_sum3A_45, %mul3A_248 : i32
        %mul3A_250 = arith.constant 25 : i32
        %mul3A_251 = arith.muli %add3A_228, %mul3A_250 : i32
        %add3A_252 = arith.addi %add3A_249, %mul3A_251 : i32
        %jit3A_253 = arith.constant 0 : i32
        %jit3A_254 = arith.constant 36375 : i32
        %max3A_255 = arith.maxsi %jit3A_253, %add3A_252 : i32
        %min3A_256 = arith.minsi %jit3A_254, %max3A_255 : i32
        %dma_wait3A = arith.constant 0 : i32
        %dma_wait3A_257 = arith.constant 0 : i32
        %dma_wait3A_258 = tpu.memref_slice %arg2[%min3A_256, %dma_wait3A, %dma_wait3A_257] : memref<36400x8x128xf32, #tpu.memory_space<hbm>> -> memref<25x8x128xf32, #tpu.memory_space<hbm>>
        %dma_wait3A_259 = arith.constant 0 : i32
        %dma_wait3A_260 = arith.constant 0 : i32
        %dma_wait3A_261 = tpu.memref_slice %arg2[%min3A_256, %dma_wait3A_259, %dma_wait3A_260] : memref<36400x8x128xf32, #tpu.memory_space<hbm>> -> memref<25x8x128xf32, #tpu.memory_space<hbm>>
        tpu.wait_dma2 semaphore(%arg16 : memref<!tpu.dma_semaphore, #tpu.memory_space<semaphore_mem>>) src(%dma_wait3A_261 : memref<25x8x128xf32, #tpu.memory_space<hbm>>) dst(%arg8 : memref<25x8x128xf32, #tpu.memory_space<vmem>>)
        %ge3A_262 = arith.constant 2 : i32
        %ge3A_263 = arith.cmpi sge, %add3A_228, %ge3A_262 : i32
        %convert_element_type3A_264 = arith.extui %ge3A_263 : i1 to i32
        %cond3A_265 = arith.constant 0 : i32
        %cond3A_266 = arith.cmpi ne, %convert_element_type3A_264, %cond3A_265 : i32
        scf.if %cond3A_266 {
          %sub3A_331 = arith.constant 2 : i32
          %sub3A_332 = arith.subi %add3A_228, %sub3A_331 : i32
          %mul3A_333 = arith.constant 1700 : i32
          %mul3A_334 = arith.muli %select_n3A_30, %mul3A_333 : i32
          %mul3A_335 = arith.constant 25 : i32
          %mul3A_336 = arith.muli %sub3A_332, %mul3A_335 : i32
          %add3A_337 = arith.addi %mul3A_334, %mul3A_336 : i32
          %dma_wait3A_338 = arith.constant 0 : i32
          %dma_wait3A_339 = arith.constant 0 : i32
          %dma_wait3A_340 = tpu.memref_slice %arg6[%select_n3A, %add3A_337, %dma_wait3A_338, %dma_wait3A_339] : memref<16x3400x8x128xf32, #tpu.memory_space<hbm>> -> memref<1x25x8x128xf32, #tpu.memory_space<hbm>>
          %dma_wait3A_341 = tpu.memref_squeeze %dma_wait3A_340 : memref<1x25x8x128xf32, #tpu.memory_space<hbm>> -> memref<25x8x128xf32, #tpu.memory_space<hbm>>
          %dma_wait3A_342 = arith.constant 0 : i32
          %dma_wait3A_343 = arith.constant 0 : i32
          %dma_wait3A_344 = tpu.memref_slice %arg6[%select_n3A, %add3A_337, %dma_wait3A_342, %dma_wait3A_343] : memref<16x3400x8x128xf32, #tpu.memory_space<hbm>> -> memref<1x25x8x128xf32, #tpu.memory_space<hbm>>
          %dma_wait3A_345 = tpu.memref_squeeze %dma_wait3A_344 : memref<1x25x8x128xf32, #tpu.memory_space<hbm>> -> memref<25x8x128xf32, #tpu.memory_space<hbm>>
          tpu.wait_dma2 semaphore(%arg18 : memref<!tpu.dma_semaphore, #tpu.memory_space<semaphore_mem>>) src(%arg10 : memref<25x8x128xf32, #tpu.memory_space<vmem>>) dst(%dma_wait3A_345 : memref<25x8x128xf32, #tpu.memory_space<hbm>>)
        } else {
        }
        %mul3A_267 = arith.constant 1700 : i32
        %mul3A_268 = arith.muli %select_n3A_30, %mul3A_267 : i32
        %mul3A_269 = arith.constant 25 : i32
        %mul3A_270 = arith.muli %add3A_228, %mul3A_269 : i32
        %add3A_271 = arith.addi %mul3A_268, %mul3A_270 : i32
        %sub3A_272 = arith.subi %reduce_sum3A_40, %add3A_271 : i32
        %jit3A_273 = arith.constant 0 : i32
        %jit3A_274 = arith.constant 25 : i32
        %max3A_275 = arith.maxsi %jit3A_273, %sub3A_272 : i32
        %min3A_276 = arith.minsi %jit3A_274, %max3A_275 : i32
        %mul3A_277 = arith.constant 25 : i32
        %mul3A_278 = arith.muli %add3A_228, %mul3A_277 : i32
        %add3A_279 = arith.addi %sub3A_68, %mul3A_278 : i32
        %get3A_280 = arith.index_cast %add3A_279 : i32 to index
        %get3A_281 = tpu.vector_load %arg13[%get3A_280] {strides = array<i32>} : memref<1728xi32, #tpu.memory_space<vmem>>, vector<16xi32>,
        %add3A_282 = arith.constant 25 : i32
        %add3A_283 = arith.addi %add3A_279, %add3A_282 : i32
        %sub3A_284 = arith.constant 16 : i32
        %sub3A_285 = arith.subi %add3A_283, %sub3A_284 : i32
        %get3A_286 = arith.index_cast %sub3A_285 : i32 to index
        %get3A_287 = tpu.vector_load %arg13[%get3A_286] {strides = array<i32>} : memref<1728xi32, #tpu.memory_space<vmem>>, vector<16xi32>,
        %min3A_288 = arith.minsi %get3A_281, %get3A_287 : vector<16xi32>
        %reduce_min3A = arith.constant true
        %reduce_min3A_289 = vector.broadcast %reduce_min3A : i1 to vector<16xi1>
        %reduce_min3A_290 = arith.constant -2147483648 : i32
        %reduce_min3A_291 = vector.broadcast %reduce_min3A_290 : i32 to vector<16xi32>
        %reduce_min3A_292 = arith.xori %min3A_288, %reduce_min3A_291 : vector<16xi32>
        %reduce_min3A_293 = tpu.scan <min>, %reduce_min3A_292 masked %reduce_min3A_289 : vector<16xi32>, vector<16xi1> -> vector<16xi32>
        %reduce_min3A_294 = arith.xori %reduce_min3A_293, %reduce_min3A_291 : vector<16xi32>
        %reduce_min3A_295 = vector.extract %reduce_min3A_294[15] : i32 from vector<16xi32>
        %max3A_296 = arith.maxsi %get3A_281, %get3A_287 : vector<16xi32>
        %reduce_max3A = arith.constant true
        %reduce_max3A_297 = vector.broadcast %reduce_max3A : i1 to vector<16xi1>
        %reduce_max3A_298 = arith.constant -2147483648 : i32
        %reduce_max3A_299 = vector.broadcast %reduce_max3A_298 : i32 to vector<16xi32>
        %reduce_max3A_300 = arith.xori %max3A_296, %reduce_max3A_299 : vector<16xi32>
        %reduce_max3A_301 = tpu.scan <max>, %reduce_max3A_300 masked %reduce_max3A_297 : vector<16xi32>, vector<16xi1> -> vector<16xi32>
        %reduce_max3A_302 = arith.xori %reduce_max3A_301, %reduce_max3A_299 : vector<16xi32>
        %reduce_max3A_303 = vector.extract %reduce_max3A_302[15] : i32 from vector<16xi32>
        %eq3A_304 = arith.cmpi eq, %reduce_min3A_295, %reduce_max3A_303 : i32
        %jit3A_305 = arith.constant 0 : i32
        %jit3A_306 = arith.constant 4 : i32
        %max3A_307 = arith.maxsi %jit3A_305, %reduce_min3A_295 : i32
        %min3A_308 = arith.minsi %jit3A_306, %max3A_307 : i32
        %convert_element_type3A_309 = arith.extui %eq3A_304 : i1 to i32
        %cond3A_310 = arith.constant 0 : i32
        %cond3A_311 = arith.cmpi ne, %convert_element_type3A_309, %cond3A_310 : i32
        scf.if %cond3A_311 {
          %mul3A_331 = arith.constant 64 : i32
          %mul3A_332 = arith.muli %min3A_276, %mul3A_331 : i32
          %parallel_loop3A_333 = arith.constant 0 : i32
          %parallel_loop3A_334 = arith.constant 1 : i32
          scf.for %parallel_loop3A_335 = %parallel_loop3A_333 to %mul3A_332 step %parallel_loop3A_334  : i32 {
            %parallel_loop3A_336 = arith.constant 64 : i32
            %parallel_loop3A_337 = arith.divsi %parallel_loop3A_335, %parallel_loop3A_336 : i32
            %parallel_loop3A_338 = arith.constant 0 : i32
            %parallel_loop3A_339 = arith.cmpi sgt, %parallel_loop3A_335, %parallel_loop3A_338 : i32
            %parallel_loop3A_340 = arith.extui %parallel_loop3A_339 : i1 to i32
            %parallel_loop3A_341 = arith.constant 0 : i32
            %parallel_loop3A_342 = arith.cmpi slt, %parallel_loop3A_335, %parallel_loop3A_341 : i32
            %parallel_loop3A_343 = arith.extui %parallel_loop3A_342 : i1 to i32
            %parallel_loop3A_344 = arith.subi %parallel_loop3A_340, %parallel_loop3A_343 : i32
            %parallel_loop3A_345 = arith.constant 0 : i32
            %parallel_loop3A_346 = arith.cmpi sgt, %parallel_loop3A_336, %parallel_loop3A_345 : i32
            %parallel_loop3A_347 = arith.extui %parallel_loop3A_346 : i1 to i32
            %parallel_loop3A_348 = arith.constant 0 : i32
            %parallel_loop3A_349 = arith.cmpi slt, %parallel_loop3A_336, %parallel_loop3A_348 : i32
            %parallel_loop3A_350 = arith.extui %parallel_loop3A_349 : i1 to i32
            %parallel_loop3A_351 = arith.subi %parallel_loop3A_347, %parallel_loop3A_350 : i32
            %parallel_loop3A_352 = arith.cmpi ne, %parallel_loop3A_344, %parallel_loop3A_351 : i32
            %parallel_loop3A_353 = arith.remsi %parallel_loop3A_335, %parallel_loop3A_336 : i32
            %parallel_loop3A_354 = arith.constant 0 : i32
            %parallel_loop3A_355 = arith.cmpi ne, %parallel_loop3A_353, %parallel_loop3A_354 : i32
            %parallel_loop3A_356 = arith.andi %parallel_loop3A_352, %parallel_loop3A_355 : i1
            %parallel_loop3A_357 = arith.constant 1 : i32
            %parallel_loop3A_358 = arith.subi %parallel_loop3A_337, %parallel_loop3A_357 : i32
            %parallel_loop3A_359 = arith.select %parallel_loop3A_356, %parallel_loop3A_358, %parallel_loop3A_337 : i32
            %parallel_loop3A_360 = arith.constant 64 : i32
            %parallel_loop3A_361 = arith.constant 0 : i32
            %parallel_loop3A_362 = arith.cmpi eq, %parallel_loop3A_360, %parallel_loop3A_361 : i32
            %parallel_loop3A_363 = arith.constant 1 : i32
            %parallel_loop3A_364 = arith.select %parallel_loop3A_362, %parallel_loop3A_363, %parallel_loop3A_360 : i32
            %parallel_loop3A_365 = arith.remsi %parallel_loop3A_335, %parallel_loop3A_364 : i32
            %parallel_loop3A_366 = arith.constant 0 : i32
            %parallel_loop3A_367 = arith.cmpi ne, %parallel_loop3A_365, %parallel_loop3A_366 : i32
            %parallel_loop3A_368 = arith.constant 0 : i32
            %parallel_loop3A_369 = arith.cmpi slt, %parallel_loop3A_365, %parallel_loop3A_368 : i32
            %parallel_loop3A_370 = arith.constant 0 : i32
            %parallel_loop3A_371 = arith.cmpi slt, %parallel_loop3A_364, %parallel_loop3A_370 : i32
            %parallel_loop3A_372 = arith.xori %parallel_loop3A_369, %parallel_loop3A_371 : i1
            %parallel_loop3A_373 = arith.andi %parallel_loop3A_372, %parallel_loop3A_367 : i1
            %parallel_loop3A_374 = arith.addi %parallel_loop3A_365, %parallel_loop3A_364 : i32
            %parallel_loop3A_375 = arith.select %parallel_loop3A_373, %parallel_loop3A_374, %parallel_loop3A_365 : i32
            %parallel_loop3A_376 = arith.constant 8 : i32
            %parallel_loop3A_377 = arith.divsi %parallel_loop3A_375, %parallel_loop3A_376 : i32
            %parallel_loop3A_378 = arith.constant 0 : i32
            %parallel_loop3A_379 = arith.cmpi sgt, %parallel_loop3A_375, %parallel_loop3A_378 : i32
            %parallel_loop3A_380 = arith.extui %parallel_loop3A_379 : i1 to i32
            %parallel_loop3A_381 = arith.constant 0 : i32
            %parallel_loop3A_382 = arith.cmpi slt, %parallel_loop3A_375, %parallel_loop3A_381 : i32
            %parallel_loop3A_383 = arith.extui %parallel_loop3A_382 : i1 to i32
            %parallel_loop3A_384 = arith.subi %parallel_loop3A_380, %parallel_loop3A_383 : i32
            %parallel_loop3A_385 = arith.constant 0 : i32
            %parallel_loop3A_386 = arith.cmpi sgt, %parallel_loop3A_376, %parallel_loop3A_385 : i32
            %parallel_loop3A_387 = arith.extui %parallel_loop3A_386 : i1 to i32
            %parallel_loop3A_388 = arith.constant 0 : i32
            %parallel_loop3A_389 = arith.cmpi slt, %parallel_loop3A_376, %parallel_loop3A_388 : i32
            %parallel_loop3A_390 = arith.extui %parallel_loop3A_389 : i1 to i32
            %parallel_loop3A_391 = arith.subi %parallel_loop3A_387, %parallel_loop3A_390 : i32
            %parallel_loop3A_392 = arith.cmpi ne, %parallel_loop3A_384, %parallel_loop3A_391 : i32
            %parallel_loop3A_393 = arith.remsi %parallel_loop3A_375, %parallel_loop3A_376 : i32
            %parallel_loop3A_394 = arith.constant 0 : i32
            %parallel_loop3A_395 = arith.cmpi ne, %parallel_loop3A_393, %parallel_loop3A_394 : i32
            %parallel_loop3A_396 = arith.andi %parallel_loop3A_392, %parallel_loop3A_395 : i1
            %parallel_loop3A_397 = arith.constant 1 : i32
            %parallel_loop3A_398 = arith.subi %parallel_loop3A_377, %parallel_loop3A_397 : i32
            %parallel_loop3A_399 = arith.select %parallel_loop3A_396, %parallel_loop3A_398, %parallel_loop3A_377 : i32
            %parallel_loop3A_400 = arith.constant 8 : i32
            %parallel_loop3A_401 = arith.constant 0 : i32
            %parallel_loop3A_402 = arith.cmpi eq, %parallel_loop3A_400, %parallel_loop3A_401 : i32
            %parallel_loop3A_403 = arith.constant 1 : i32
            %parallel_loop3A_404 = arith.select %parallel_loop3A_402, %parallel_loop3A_403, %parallel_loop3A_400 : i32
            %parallel_loop3A_405 = arith.remsi %parallel_loop3A_375, %parallel_loop3A_404 : i32
            %parallel_loop3A_406 = arith.constant 0 : i32
            %parallel_loop3A_407 = arith.cmpi ne, %parallel_loop3A_405, %parallel_loop3A_406 : i32
            %parallel_loop3A_408 = arith.constant 0 : i32
            %parallel_loop3A_409 = arith.cmpi slt, %parallel_loop3A_405, %parallel_loop3A_408 : i32
            %parallel_loop3A_410 = arith.constant 0 : i32
            %parallel_loop3A_411 = arith.cmpi slt, %parallel_loop3A_404, %parallel_loop3A_410 : i32
            %parallel_loop3A_412 = arith.xori %parallel_loop3A_409, %parallel_loop3A_411 : i1
            %parallel_loop3A_413 = arith.andi %parallel_loop3A_412, %parallel_loop3A_407 : i1
            %parallel_loop3A_414 = arith.addi %parallel_loop3A_405, %parallel_loop3A_404 : i32
            %parallel_loop3A_415 = arith.select %parallel_loop3A_413, %parallel_loop3A_414, %parallel_loop3A_405 : i32
            %parallel_loop3A_416 = arith.constant 16 : i32
            %parallel_loop3A_417 = arith.muli %parallel_loop3A_415, %parallel_loop3A_416 : i32
            %parallel_loop3A_418 = arith.index_cast %parallel_loop3A_359 : i32 to index
            %parallel_loop3A_419 = arith.index_cast %parallel_loop3A_399 : i32 to index
            %parallel_loop3A_420 = arith.index_cast %parallel_loop3A_417 : i32 to index
            %parallel_loop3A_421 = tpu.vector_load %arg8[%parallel_loop3A_418, %parallel_loop3A_419, %parallel_loop3A_420] {strides = array<i32>} : memref<25x8x128xf32, #tpu.memory_space<vmem>>, vector<16xf32>,
            %parallel_loop3A_422 = arith.constant 0 : i32
            %parallel_loop3A_423 = arith.constant 0 : i32
            %parallel_loop3A_424 = tpu.memref_slice %arg12[%min3A_308, %parallel_loop3A_422, %parallel_loop3A_423] : memref<5x8x128xf32, #tpu.memory_space<vmem>> -> memref<1x8x128xf32, #tpu.memory_space<vmem>>
            %parallel_loop3A_425 = tpu.memref_squeeze %parallel_loop3A_424 : memref<1x8x128xf32, #tpu.memory_space<vmem>> -> memref<8x128xf32, #tpu.memory_space<vmem>>
            %parallel_loop3A_426 = arith.index_cast %parallel_loop3A_399 : i32 to index
            %parallel_loop3A_427 = arith.index_cast %parallel_loop3A_417 : i32 to index
            %parallel_loop3A_428 = tpu.vector_load %parallel_loop3A_425[%parallel_loop3A_426, %parallel_loop3A_427] {strides = array<i32>} : memref<8x128xf32, #tpu.memory_space<vmem>>, vector<16xf32>,
            %parallel_loop3A_429 = arith.addf %parallel_loop3A_421, %parallel_loop3A_428 : vector<16xf32>
            %parallel_loop3A_430 = arith.index_cast %parallel_loop3A_359 : i32 to index
            %parallel_loop3A_431 = arith.index_cast %parallel_loop3A_399 : i32 to index
            %parallel_loop3A_432 = arith.index_cast %parallel_loop3A_417 : i32 to index
            %parallel_loop3A_433 = tpu.vector_load %arg10[%parallel_loop3A_430, %parallel_loop3A_431, %parallel_loop3A_432] {strides = array<i32>} : memref<25x8x128xf32, #tpu.memory_space<vmem>>, vector<16xf32>,
            tpu.vector_store %arg10[%parallel_loop3A_430, %parallel_loop3A_431, %parallel_loop3A_432], %parallel_loop3A_429 {strides = array<i32>} : memref<25x8x128xf32, #tpu.memory_space<vmem>>, vector<16xf32>,
          } {sc.loop_unroll_factor = 8 : i64, sc.parallel_access}
        } else {
        }
        %not3A = arith.constant true
        %not3A_312 = arith.xori %eq3A_304, %not3A : i1
        %convert_element_type3A_313 = arith.extui %not3A_312 : i1 to i32
        %cond3A_314 = arith.constant 0 : i32
        %cond3A_315 = arith.cmpi ne, %convert_element_type3A_313, %cond3A_314 : i32
        scf.if %cond3A_315 {
          %while3A = arith.constant 0 : i32
          %while3A_331 = arith.constant 0 : i32
          %while3A_332 = arith.subi %min3A_276, %while3A_331 : i32
          %while3A_333 = arith.addi %while3A_331, %while3A_332 : i32
          %while3A_334 = arith.constant 1 : i32
          %while3A_335 = arith.divsi %while3A_332, %while3A_334 : i32
          %while3A_336 = arith.muli %while3A_335, %while3A_334 : i32
          %while3A_337 = arith.addi %while3A_331, %while3A_336 : i32
          %while3A_338 = arith.constant 1 : i32
          scf.for %while3A_340 = %while3A_331 to %while3A_337 step %while3A_338  : i32 {
            %add3A_341 = arith.addi %add3A_279, %while3A_340 : i32
            %min3A_342 = arith.constant 1712 : i32
            %min3A_343 = arith.minsi %add3A_341, %min3A_342 : i32
            %get3A_344 = arith.index_cast %min3A_343 : i32 to index
            %get3A_345 = tpu.vector_load %arg13[%get3A_344] {strides = array<i32>} : memref<1728xi32, #tpu.memory_space<vmem>>, vector<16xi32>,
            %eq3A_346 = arith.constant 0 : i32
            %eq3A_347 = vector.broadcast %eq3A_346 : i32 to vector<16xi32>
            %eq3A_348 = arith.cmpi eq, %iota3A, %eq3A_347 : vector<16xi32>
            %jit3A_349 = arith.constant 0 : i32
            %broadcast_in_dim3A_350 = vector.broadcast %jit3A_349 : i32 to vector<16xi32>
            %select_n3A_351 = arith.select %eq3A_348, %get3A_345, %broadcast_in_dim3A_350 : vector<16xi1>, vector<16xi32>
            %reduce_sum3A_352 = arith.constant true
            %reduce_sum3A_353 = vector.broadcast %reduce_sum3A_352 : i1 to vector<16xi1>
            %reduce_sum3A_354 = tpu.scan <sum>, %select_n3A_351 masked %reduce_sum3A_353 : vector<16xi32>, vector<16xi1> -> vector<16xi32>
            %reduce_sum3A_355 = vector.extract %reduce_sum3A_354[15] : i32 from vector<16xi32>
            %jit3A_356 = arith.constant 0 : i32
            %jit3A_357 = arith.constant 4 : i32
            %max3A_358 = arith.maxsi %jit3A_356, %reduce_sum3A_355 : i32
            %min3A_359 = arith.minsi %jit3A_357, %max3A_358 : i32
            %parallel_loop3A_360 = arith.constant 0 : i32
            %parallel_loop3A_361 = arith.constant 64 : i32
            %parallel_loop3A_362 = arith.constant 1 : i32
            scf.for %parallel_loop3A_363 = %parallel_loop3A_360 to %parallel_loop3A_361 step %parallel_loop3A_362  : i32 {
              %parallel_loop3A_364 = arith.constant 8 : i32
              %parallel_loop3A_365 = arith.divsi %parallel_loop3A_363, %parallel_loop3A_364 : i32
              %parallel_loop3A_366 = arith.constant 0 : i32
              %parallel_loop3A_367 = arith.cmpi sgt, %parallel_loop3A_363, %parallel_loop3A_366 : i32
              %parallel_loop3A_368 = arith.extui %parallel_loop3A_367 : i1 to i32
              %parallel_loop3A_369 = arith.constant 0 : i32
              %parallel_loop3A_370 = arith.cmpi slt, %parallel_loop3A_363, %parallel_loop3A_369 : i32
              %parallel_loop3A_371 = arith.extui %parallel_loop3A_370 : i1 to i32
              %parallel_loop3A_372 = arith.subi %parallel_loop3A_368, %parallel_loop3A_371 : i32
              %parallel_loop3A_373 = arith.constant 0 : i32
              %parallel_loop3A_374 = arith.cmpi sgt, %parallel_loop3A_364, %parallel_loop3A_373 : i32
              %parallel_loop3A_375 = arith.extui %parallel_loop3A_374 : i1 to i32
              %parallel_loop3A_376 = arith.constant 0 : i32
              %parallel_loop3A_377 = arith.cmpi slt, %parallel_loop3A_364, %parallel_loop3A_376 : i32
              %parallel_loop3A_378 = arith.extui %parallel_loop3A_377 : i1 to i32
              %parallel_loop3A_379 = arith.subi %parallel_loop3A_375, %parallel_loop3A_378 : i32
              %parallel_loop3A_380 = arith.cmpi ne, %parallel_loop3A_372, %parallel_loop3A_379 : i32
              %parallel_loop3A_381 = arith.remsi %parallel_loop3A_363, %parallel_loop3A_364 : i32
              %parallel_loop3A_382 = arith.constant 0 : i32
              %parallel_loop3A_383 = arith.cmpi ne, %parallel_loop3A_381, %parallel_loop3A_382 : i32
              %parallel_loop3A_384 = arith.andi %parallel_loop3A_380, %parallel_loop3A_383 : i1
              %parallel_loop3A_385 = arith.constant 1 : i32
              %parallel_loop3A_386 = arith.subi %parallel_loop3A_365, %parallel_loop3A_385 : i32
              %parallel_loop3A_387 = arith.select %parallel_loop3A_384, %parallel_loop3A_386, %parallel_loop3A_365 : i32
              %parallel_loop3A_388 = arith.constant 8 : i32
              %parallel_loop3A_389 = arith.constant 0 : i32
              %parallel_loop3A_390 = arith.cmpi eq, %parallel_loop3A_388, %parallel_loop3A_389 : i32
              %parallel_loop3A_391 = arith.constant 1 : i32
              %parallel_loop3A_392 = arith.select %parallel_loop3A_390, %parallel_loop3A_391, %parallel_loop3A_388 : i32
              %parallel_loop3A_393 = arith.remsi %parallel_loop3A_363, %parallel_loop3A_392 : i32
              %parallel_loop3A_394 = arith.constant 0 : i32
              %parallel_loop3A_395 = arith.cmpi ne, %parallel_loop3A_393, %parallel_loop3A_394 : i32
              %parallel_loop3A_396 = arith.constant 0 : i32
              %parallel_loop3A_397 = arith.cmpi slt, %parallel_loop3A_393, %parallel_loop3A_396 : i32
              %parallel_loop3A_398 = arith.constant 0 : i32
              %parallel_loop3A_399 = arith.cmpi slt, %parallel_loop3A_392, %parallel_loop3A_398 : i32
              %parallel_loop3A_400 = arith.xori %parallel_loop3A_397, %parallel_loop3A_399 : i1
              %parallel_loop3A_401 = arith.andi %parallel_loop3A_400, %parallel_loop3A_395 : i1
              %parallel_loop3A_402 = arith.addi %parallel_loop3A_393, %parallel_loop3A_392 : i32
              %parallel_loop3A_403 = arith.select %parallel_loop3A_401, %parallel_loop3A_402, %parallel_loop3A_393 : i32
              %parallel_loop3A_404 = arith.constant 16 : i32
              %parallel_loop3A_405 = arith.muli %parallel_loop3A_403, %parallel_loop3A_404 : i32
              %parallel_loop3A_406 = arith.index_cast %while3A_340 : i32 to index
              %parallel_loop3A_407 = arith.index_cast %parallel_loop3A_387 : i32 to index
              %parallel_loop3A_408 = arith.index_cast %parallel_loop3A_405 : i32 to index
              %parallel_loop3A_409 = tpu.vector_load %arg8[%parallel_loop3A_406, %parallel_loop3A_407, %parallel_loop3A_408] {strides = array<i32>} : memref<25x8x128xf32, #tpu.memory_space<vmem>>, vector<16xf32>,
              %parallel_loop3A_410 = arith.constant 0 : i32
              %parallel_loop3A_411 = arith.constant 0 : i32
              %parallel_loop3A_412 = tpu.memref_slice %arg12[%min3A_359, %parallel_loop3A_410, %parallel_loop3A_411] : memref<5x8x128xf32, #tpu.memory_space<vmem>> -> memref<1x8x128xf32, #tpu.memory_space<vmem>>
              %parallel_loop3A_413 = tpu.memref_squeeze %parallel_loop3A_412 : memref<1x8x128xf32, #tpu.memory_space<vmem>> -> memref<8x128xf32, #tpu.memory_space<vmem>>
              %parallel_loop3A_414 = arith.index_cast %parallel_loop3A_387 : i32 to index
              %parallel_loop3A_415 = arith.index_cast %parallel_loop3A_405 : i32 to index
              %parallel_loop3A_416 = tpu.vector_load %parallel_loop3A_413[%parallel_loop3A_414, %parallel_loop3A_415] {strides = array<i32>} : memref<8x128xf32, #tpu.memory_space<vmem>>, vector<16xf32>,
              %parallel_loop3A_417 = arith.addf %parallel_loop3A_409, %parallel_loop3A_416 : vector<16xf32>
              %parallel_loop3A_418 = arith.index_cast %while3A_340 : i32 to index
              %parallel_loop3A_419 = arith.index_cast %parallel_loop3A_387 : i32 to index
              %parallel_loop3A_420 = arith.index_cast %parallel_loop3A_405 : i32 to index
              %parallel_loop3A_421 = tpu.vector_load %arg10[%parallel_loop3A_418, %parallel_loop3A_419, %parallel_loop3A_420] {strides = array<i32>} : memref<25x8x128xf32, #tpu.memory_space<vmem>>, vector<16xf32>,
              tpu.vector_store %arg10[%parallel_loop3A_418, %parallel_loop3A_419, %parallel_loop3A_420], %parallel_loop3A_417 {strides = array<i32>} : memref<25x8x128xf32, #tpu.memory_space<vmem>>, vector<16xf32>,
            } {sc.loop_unroll_factor = 8 : i64, sc.parallel_access}
          }
          %while3A_339 = arith.constant 1 : i32
          scf.for %while3A_340 = %while3A_337 to %while3A_333 step %while3A_339  : i32 {
            %add3A_341 = arith.addi %add3A_279, %while3A_340 : i32
            %min3A_342 = arith.constant 1712 : i32
            %min3A_343 = arith.minsi %add3A_341, %min3A_342 : i32
            %get3A_344 = arith.index_cast %min3A_343 : i32 to index
            %get3A_345 = tpu.vector_load %arg13[%get3A_344] {strides = array<i32>} : memref<1728xi32, #tpu.memory_space<vmem>>, vector<16xi32>,
            %eq3A_346 = arith.constant 0 : i32
            %eq3A_347 = vector.broadcast %eq3A_346 : i32 to vector<16xi32>
            %eq3A_348 = arith.cmpi eq, %iota3A, %eq3A_347 : vector<16xi32>
            %jit3A_349 = arith.constant 0 : i32
            %broadcast_in_dim3A_350 = vector.broadcast %jit3A_349 : i32 to vector<16xi32>
            %select_n3A_351 = arith.select %eq3A_348, %get3A_345, %broadcast_in_dim3A_350 : vector<16xi1>, vector<16xi32>
            %reduce_sum3A_352 = arith.constant true
            %reduce_sum3A_353 = vector.broadcast %reduce_sum3A_352 : i1 to vector<16xi1>
            %reduce_sum3A_354 = tpu.scan <sum>, %select_n3A_351 masked %reduce_sum3A_353 : vector<16xi32>, vector<16xi1> -> vector<16xi32>
            %reduce_sum3A_355 = vector.extract %reduce_sum3A_354[15] : i32 from vector<16xi32>
            %jit3A_356 = arith.constant 0 : i32
            %jit3A_357 = arith.constant 4 : i32
            %max3A_358 = arith.maxsi %jit3A_356, %reduce_sum3A_355 : i32
            %min3A_359 = arith.minsi %jit3A_357, %max3A_358 : i32
            %parallel_loop3A_360 = arith.constant 0 : i32
            %parallel_loop3A_361 = arith.constant 64 : i32
            %parallel_loop3A_362 = arith.constant 1 : i32
            scf.for %parallel_loop3A_363 = %parallel_loop3A_360 to %parallel_loop3A_361 step %parallel_loop3A_362  : i32 {
              %parallel_loop3A_364 = arith.constant 8 : i32
              %parallel_loop3A_365 = arith.divsi %parallel_loop3A_363, %parallel_loop3A_364 : i32
              %parallel_loop3A_366 = arith.constant 0 : i32
              %parallel_loop3A_367 = arith.cmpi sgt, %parallel_loop3A_363, %parallel_loop3A_366 : i32
              %parallel_loop3A_368 = arith.extui %parallel_loop3A_367 : i1 to i32
              %parallel_loop3A_369 = arith.constant 0 : i32
              %parallel_loop3A_370 = arith.cmpi slt, %parallel_loop3A_363, %parallel_loop3A_369 : i32
              %parallel_loop3A_371 = arith.extui %parallel_loop3A_370 : i1 to i32
              %parallel_loop3A_372 = arith.subi %parallel_loop3A_368, %parallel_loop3A_371 : i32
              %parallel_loop3A_373 = arith.constant 0 : i32
              %parallel_loop3A_374 = arith.cmpi sgt, %parallel_loop3A_364, %parallel_loop3A_373 : i32
              %parallel_loop3A_375 = arith.extui %parallel_loop3A_374 : i1 to i32
              %parallel_loop3A_376 = arith.constant 0 : i32
              %parallel_loop3A_377 = arith.cmpi slt, %parallel_loop3A_364, %parallel_loop3A_376 : i32
              %parallel_loop3A_378 = arith.extui %parallel_loop3A_377 : i1 to i32
              %parallel_loop3A_379 = arith.subi %parallel_loop3A_375, %parallel_loop3A_378 : i32
              %parallel_loop3A_380 = arith.cmpi ne, %parallel_loop3A_372, %parallel_loop3A_379 : i32
              %parallel_loop3A_381 = arith.remsi %parallel_loop3A_363, %parallel_loop3A_364 : i32
              %parallel_loop3A_382 = arith.constant 0 : i32
              %parallel_loop3A_383 = arith.cmpi ne, %parallel_loop3A_381, %parallel_loop3A_382 : i32
              %parallel_loop3A_384 = arith.andi %parallel_loop3A_380, %parallel_loop3A_383 : i1
              %parallel_loop3A_385 = arith.constant 1 : i32
              %parallel_loop3A_386 = arith.subi %parallel_loop3A_365, %parallel_loop3A_385 : i32
              %parallel_loop3A_387 = arith.select %parallel_loop3A_384, %parallel_loop3A_386, %parallel_loop3A_365 : i32
              %parallel_loop3A_388 = arith.constant 8 : i32
              %parallel_loop3A_389 = arith.constant 0 : i32
              %parallel_loop3A_390 = arith.cmpi eq, %parallel_loop3A_388, %parallel_loop3A_389 : i32
              %parallel_loop3A_391 = arith.constant 1 : i32
              %parallel_loop3A_392 = arith.select %parallel_loop3A_390, %parallel_loop3A_391, %parallel_loop3A_388 : i32
              %parallel_loop3A_393 = arith.remsi %parallel_loop3A_363, %parallel_loop3A_392 : i32
              %parallel_loop3A_394 = arith.constant 0 : i32
              %parallel_loop3A_395 = arith.cmpi ne, %parallel_loop3A_393, %parallel_loop3A_394 : i32
              %parallel_loop3A_396 = arith.constant 0 : i32
              %parallel_loop3A_397 = arith.cmpi slt, %parallel_loop3A_393, %parallel_loop3A_396 : i32
              %parallel_loop3A_398 = arith.constant 0 : i32
              %parallel_loop3A_399 = arith.cmpi slt, %parallel_loop3A_392, %parallel_loop3A_398 : i32
              %parallel_loop3A_400 = arith.xori %parallel_loop3A_397, %parallel_loop3A_399 : i1
              %parallel_loop3A_401 = arith.andi %parallel_loop3A_400, %parallel_loop3A_395 : i1
              %parallel_loop3A_402 = arith.addi %parallel_loop3A_393, %parallel_loop3A_392 : i32
              %parallel_loop3A_403 = arith.select %parallel_loop3A_401, %parallel_loop3A_402, %parallel_loop3A_393 : i32
              %parallel_loop3A_404 = arith.constant 16 : i32
              %parallel_loop3A_405 = arith.muli %parallel_loop3A_403, %parallel_loop3A_404 : i32
              %parallel_loop3A_406 = arith.index_cast %while3A_340 : i32 to index
              %parallel_loop3A_407 = arith.index_cast %parallel_loop3A_387 : i32 to index
              %parallel_loop3A_408 = arith.index_cast %parallel_loop3A_405 : i32 to index
              %parallel_loop3A_409 = tpu.vector_load %arg8[%parallel_loop3A_406, %parallel_loop3A_407, %parallel_loop3A_408] {strides = array<i32>} : memref<25x8x128xf32, #tpu.memory_space<vmem>>, vector<16xf32>,
              %parallel_loop3A_410 = arith.constant 0 : i32
              %parallel_loop3A_411 = arith.constant 0 : i32
              %parallel_loop3A_412 = tpu.memref_slice %arg12[%min3A_359, %parallel_loop3A_410, %parallel_loop3A_411] : memref<5x8x128xf32, #tpu.memory_space<vmem>> -> memref<1x8x128xf32, #tpu.memory_space<vmem>>
              %parallel_loop3A_413 = tpu.memref_squeeze %parallel_loop3A_412 : memref<1x8x128xf32, #tpu.memory_space<vmem>> -> memref<8x128xf32, #tpu.memory_space<vmem>>
              %parallel_loop3A_414 = arith.index_cast %parallel_loop3A_387 : i32 to index
              %parallel_loop3A_415 = arith.index_cast %parallel_loop3A_405 : i32 to index
              %parallel_loop3A_416 = tpu.vector_load %parallel_loop3A_413[%parallel_loop3A_414, %parallel_loop3A_415] {strides = array<i32>} : memref<8x128xf32, #tpu.memory_space<vmem>>, vector<16xf32>,
              %parallel_loop3A_417 = arith.addf %parallel_loop3A_409, %parallel_loop3A_416 : vector<16xf32>
              %parallel_loop3A_418 = arith.index_cast %while3A_340 : i32 to index
              %parallel_loop3A_419 = arith.index_cast %parallel_loop3A_387 : i32 to index
              %parallel_loop3A_420 = arith.index_cast %parallel_loop3A_405 : i32 to index
              %parallel_loop3A_421 = tpu.vector_load %arg10[%parallel_loop3A_418, %parallel_loop3A_419, %parallel_loop3A_420] {strides = array<i32>} : memref<25x8x128xf32, #tpu.memory_space<vmem>>, vector<16xf32>,
              tpu.vector_store %arg10[%parallel_loop3A_418, %parallel_loop3A_419, %parallel_loop3A_420], %parallel_loop3A_417 {strides = array<i32>} : memref<25x8x128xf32, #tpu.memory_space<vmem>>, vector<16xf32>,
            } {sc.loop_unroll_factor = 8 : i64, sc.parallel_access}
          }
        } else {
        }
        %mul3A_316 = arith.constant 64 : i32
        %mul3A_317 = arith.muli %min3A_276, %mul3A_316 : i32
        %parallel_loop3A = arith.constant 1600 : i32
        %parallel_loop3A_318 = arith.constant 1 : i32
        scf.for %parallel_loop3A_331 = %mul3A_317 to %parallel_loop3A step %parallel_loop3A_318  : i32 {
          %parallel_loop3A_332 = arith.constant 64 : i32
          %parallel_loop3A_333 = arith.divsi %parallel_loop3A_331, %parallel_loop3A_332 : i32
          %parallel_loop3A_334 = arith.constant 0 : i32
          %parallel_loop3A_335 = arith.cmpi sgt, %parallel_loop3A_331, %parallel_loop3A_334 : i32
          %parallel_loop3A_336 = arith.extui %parallel_loop3A_335 : i1 to i32
          %parallel_loop3A_337 = arith.constant 0 : i32
          %parallel_loop3A_338 = arith.cmpi slt, %parallel_loop3A_331, %parallel_loop3A_337 : i32
          %parallel_loop3A_339 = arith.extui %parallel_loop3A_338 : i1 to i32
          %parallel_loop3A_340 = arith.subi %parallel_loop3A_336, %parallel_loop3A_339 : i32
          %parallel_loop3A_341 = arith.constant 0 : i32
          %parallel_loop3A_342 = arith.cmpi sgt, %parallel_loop3A_332, %parallel_loop3A_341 : i32
          %parallel_loop3A_343 = arith.extui %parallel_loop3A_342 : i1 to i32
          %parallel_loop3A_344 = arith.constant 0 : i32
          %parallel_loop3A_345 = arith.cmpi slt, %parallel_loop3A_332, %parallel_loop3A_344 : i32
          %parallel_loop3A_346 = arith.extui %parallel_loop3A_345 : i1 to i32
          %parallel_loop3A_347 = arith.subi %parallel_loop3A_343, %parallel_loop3A_346 : i32
          %parallel_loop3A_348 = arith.cmpi ne, %parallel_loop3A_340, %parallel_loop3A_347 : i32
          %parallel_loop3A_349 = arith.remsi %parallel_loop3A_331, %parallel_loop3A_332 : i32
          %parallel_loop3A_350 = arith.constant 0 : i32
          %parallel_loop3A_351 = arith.cmpi ne, %parallel_loop3A_349, %parallel_loop3A_350 : i32
          %parallel_loop3A_352 = arith.andi %parallel_loop3A_348, %parallel_loop3A_351 : i1
          %parallel_loop3A_353 = arith.constant 1 : i32
          %parallel_loop3A_354 = arith.subi %parallel_loop3A_333, %parallel_loop3A_353 : i32
          %parallel_loop3A_355 = arith.select %parallel_loop3A_352, %parallel_loop3A_354, %parallel_loop3A_333 : i32
          %parallel_loop3A_356 = arith.constant 64 : i32
          %parallel_loop3A_357 = arith.constant 0 : i32
          %parallel_loop3A_358 = arith.cmpi eq, %parallel_loop3A_356, %parallel_loop3A_357 : i32
          %parallel_loop3A_359 = arith.constant 1 : i32
          %parallel_loop3A_360 = arith.select %parallel_loop3A_358, %parallel_loop3A_359, %parallel_loop3A_356 : i32
          %parallel_loop3A_361 = arith.remsi %parallel_loop3A_331, %parallel_loop3A_360 : i32
          %parallel_loop3A_362 = arith.constant 0 : i32
          %parallel_loop3A_363 = arith.cmpi ne, %parallel_loop3A_361, %parallel_loop3A_362 : i32
          %parallel_loop3A_364 = arith.constant 0 : i32
          %parallel_loop3A_365 = arith.cmpi slt, %parallel_loop3A_361, %parallel_loop3A_364 : i32
          %parallel_loop3A_366 = arith.constant 0 : i32
          %parallel_loop3A_367 = arith.cmpi slt, %parallel_loop3A_360, %parallel_loop3A_366 : i32
          %parallel_loop3A_368 = arith.xori %parallel_loop3A_365, %parallel_loop3A_367 : i1
          %parallel_loop3A_369 = arith.andi %parallel_loop3A_368, %parallel_loop3A_363 : i1
          %parallel_loop3A_370 = arith.addi %parallel_loop3A_361, %parallel_loop3A_360 : i32
          %parallel_loop3A_371 = arith.select %parallel_loop3A_369, %parallel_loop3A_370, %parallel_loop3A_361 : i32
          %parallel_loop3A_372 = arith.constant 8 : i32
          %parallel_loop3A_373 = arith.divsi %parallel_loop3A_371, %parallel_loop3A_372 : i32
          %parallel_loop3A_374 = arith.constant 0 : i32
          %parallel_loop3A_375 = arith.cmpi sgt, %parallel_loop3A_371, %parallel_loop3A_374 : i32
          %parallel_loop3A_376 = arith.extui %parallel_loop3A_375 : i1 to i32
          %parallel_loop3A_377 = arith.constant 0 : i32
          %parallel_loop3A_378 = arith.cmpi slt, %parallel_loop3A_371, %parallel_loop3A_377 : i32
          %parallel_loop3A_379 = arith.extui %parallel_loop3A_378 : i1 to i32
          %parallel_loop3A_380 = arith.subi %parallel_loop3A_376, %parallel_loop3A_379 : i32
          %parallel_loop3A_381 = arith.constant 0 : i32
          %parallel_loop3A_382 = arith.cmpi sgt, %parallel_loop3A_372, %parallel_loop3A_381 : i32
          %parallel_loop3A_383 = arith.extui %parallel_loop3A_382 : i1 to i32
          %parallel_loop3A_384 = arith.constant 0 : i32
          %parallel_loop3A_385 = arith.cmpi slt, %parallel_loop3A_372, %parallel_loop3A_384 : i32
          %parallel_loop3A_386 = arith.extui %parallel_loop3A_385 : i1 to i32
          %parallel_loop3A_387 = arith.subi %parallel_loop3A_383, %parallel_loop3A_386 : i32
          %parallel_loop3A_388 = arith.cmpi ne, %parallel_loop3A_380, %parallel_loop3A_387 : i32
          %parallel_loop3A_389 = arith.remsi %parallel_loop3A_371, %parallel_loop3A_372 : i32
          %parallel_loop3A_390 = arith.constant 0 : i32
          %parallel_loop3A_391 = arith.cmpi ne, %parallel_loop3A_389, %parallel_loop3A_390 : i32
          %parallel_loop3A_392 = arith.andi %parallel_loop3A_388, %parallel_loop3A_391 : i1
          %parallel_loop3A_393 = arith.constant 1 : i32
          %parallel_loop3A_394 = arith.subi %parallel_loop3A_373, %parallel_loop3A_393 : i32
          %parallel_loop3A_395 = arith.select %parallel_loop3A_392, %parallel_loop3A_394, %parallel_loop3A_373 : i32
          %parallel_loop3A_396 = arith.constant 8 : i32
          %parallel_loop3A_397 = arith.constant 0 : i32
          %parallel_loop3A_398 = arith.cmpi eq, %parallel_loop3A_396, %parallel_loop3A_397 : i32
          %parallel_loop3A_399 = arith.constant 1 : i32
          %parallel_loop3A_400 = arith.select %parallel_loop3A_398, %parallel_loop3A_399, %parallel_loop3A_396 : i32
          %parallel_loop3A_401 = arith.remsi %parallel_loop3A_371, %parallel_loop3A_400 : i32
          %parallel_loop3A_402 = arith.constant 0 : i32
          %parallel_loop3A_403 = arith.cmpi ne, %parallel_loop3A_401, %parallel_loop3A_402 : i32
          %parallel_loop3A_404 = arith.constant 0 : i32
          %parallel_loop3A_405 = arith.cmpi slt, %parallel_loop3A_401, %parallel_loop3A_404 : i32
          %parallel_loop3A_406 = arith.constant 0 : i32
          %parallel_loop3A_407 = arith.cmpi slt, %parallel_loop3A_400, %parallel_loop3A_406 : i32
          %parallel_loop3A_408 = arith.xori %parallel_loop3A_405, %parallel_loop3A_407 : i1
          %parallel_loop3A_409 = arith.andi %parallel_loop3A_408, %parallel_loop3A_403 : i1
          %parallel_loop3A_410 = arith.addi %parallel_loop3A_401, %parallel_loop3A_400 : i32
          %parallel_loop3A_411 = arith.select %parallel_loop3A_409, %parallel_loop3A_410, %parallel_loop3A_401 : i32
          %parallel_loop3A_412 = arith.constant 16 : i32
          %parallel_loop3A_413 = arith.muli %parallel_loop3A_411, %parallel_loop3A_412 : i32
          %parallel_loop3A_414 = arith.index_cast %parallel_loop3A_355 : i32 to index
          %parallel_loop3A_415 = arith.index_cast %parallel_loop3A_395 : i32 to index
          %parallel_loop3A_416 = arith.index_cast %parallel_loop3A_413 : i32 to index
          %parallel_loop3A_417 = tpu.vector_load %arg10[%parallel_loop3A_414, %parallel_loop3A_415, %parallel_loop3A_416] {strides = array<i32>} : memref<25x8x128xf32, #tpu.memory_space<vmem>>, vector<16xf32>,
          tpu.vector_store %arg10[%parallel_loop3A_414, %parallel_loop3A_415, %parallel_loop3A_416], %broadcast_in_dim3A_111 {strides = array<i32>} : memref<25x8x128xf32, #tpu.memory_space<vmem>>, vector<16xf32>,
        } {sc.loop_unroll_factor = 8 : i64, sc.parallel_access}
        %mul3A_319 = arith.constant 1700 : i32
        %mul3A_320 = arith.muli %select_n3A_30, %mul3A_319 : i32
        %mul3A_321 = arith.constant 25 : i32
        %mul3A_322 = arith.muli %add3A_228, %mul3A_321 : i32
        %add3A_323 = arith.addi %mul3A_320, %mul3A_322 : i32
        %dma_start3A = arith.constant 0 : i32
        %dma_start3A_324 = arith.constant 0 : i32
        %dma_start3A_325 = tpu.memref_slice %arg6[%select_n3A, %add3A_323, %dma_start3A, %dma_start3A_324] : memref<16x3400x8x128xf32, #tpu.memory_space<hbm>> -> memref<1x25x8x128xf32, #tpu.memory_space<hbm>>
        %dma_start3A_326 = tpu.memref_squeeze %dma_start3A_325 : memref<1x25x8x128xf32, #tpu.memory_space<hbm>> -> memref<25x8x128xf32, #tpu.memory_space<hbm>>
        %dma_start3A_327 = arith.constant 0 : i32
        %dma_start3A_328 = arith.constant 0 : i32
        %dma_start3A_329 = tpu.memref_slice %arg6[%select_n3A, %add3A_323, %dma_start3A_327, %dma_start3A_328] : memref<16x3400x8x128xf32, #tpu.memory_space<hbm>> -> memref<1x25x8x128xf32, #tpu.memory_space<hbm>>
        %dma_start3A_330 = tpu.memref_squeeze %dma_start3A_329 : memref<1x25x8x128xf32, #tpu.memory_space<hbm>> -> memref<25x8x128xf32, #tpu.memory_space<hbm>>
        tpu.enqueue_dma source(%arg10 : memref<25x8x128xf32, #tpu.memory_space<vmem>>) target(%dma_start3A_330 : memref<25x8x128xf32, #tpu.memory_space<hbm>>) target_semaphore(%arg18 : memref<!tpu.dma_semaphore, #tpu.memory_space<semaphore_mem>>)
      } else {
      }
      %mul3A_233 = arith.constant 2 : i32
      %mul3A_234 = arith.muli %scan3A_224, %mul3A_233 : i32
      %add3A_235 = arith.constant 1 : i32
      %add3A_236 = arith.addi %mul3A_234, %add3A_235 : i32
      %lt3A_237 = arith.cmpi slt, %add3A_236, %mul3A_110 : i32
      %convert_element_type3A_238 = arith.extui %lt3A_237 : i1 to i32
      %cond3A_239 = arith.constant 0 : i32
      %cond3A_240 = arith.cmpi ne, %convert_element_type3A_238, %cond3A_239 : i32
      scf.if %cond3A_240 {
        %add3A_241 = arith.constant 1 : i32
        %add3A_242 = arith.addi %add3A_236, %add3A_241 : i32
        %lt3A_243 = arith.cmpi slt, %add3A_242, %mul3A_110 : i32
        %convert_element_type3A_244 = arith.extui %lt3A_243 : i1 to i32
        %cond3A_245 = arith.constant 0 : i32
        %cond3A_246 = arith.cmpi ne, %convert_element_type3A_244, %cond3A_245 : i32
        scf.if %cond3A_246 {
          %add3A_331 = arith.constant 1 : i32
          %add3A_332 = arith.addi %add3A_236, %add3A_331 : i32
          %mul3A_333 = arith.constant 1700 : i32
          %mul3A_334 = arith.muli %select_n3A_30, %mul3A_333 : i32
          %add3A_335 = arith.addi %reduce_sum3A_45, %mul3A_334 : i32
          %mul3A_336 = arith.constant 25 : i32
          %mul3A_337 = arith.muli %add3A_332, %mul3A_336 : i32
          %add3A_338 = arith.addi %add3A_335, %mul3A_337 : i32
          %jit3A_339 = arith.constant 0 : i32
          %jit3A_340 = arith.constant 36375 : i32
          %max3A_341 = arith.maxsi %jit3A_339, %add3A_338 : i32
          %min3A_342 = arith.minsi %jit3A_340, %max3A_341 : i32
          %dma_start3A_343 = arith.constant 0 : i32
          %dma_start3A_344 = arith.constant 0 : i32
          %dma_start3A_345 = tpu.memref_slice %arg2[%min3A_342, %dma_start3A_343, %dma_start3A_344] : memref<36400x8x128xf32, #tpu.memory_space<hbm>> -> memref<25x8x128xf32, #tpu.memory_space<hbm>>
          %dma_start3A_346 = arith.constant 0 : i32
          %dma_start3A_347 = arith.constant 0 : i32
          %dma_start3A_348 = tpu.memref_slice %arg2[%min3A_342, %dma_start3A_346, %dma_start3A_347] : memref<36400x8x128xf32, #tpu.memory_space<hbm>> -> memref<25x8x128xf32, #tpu.memory_space<hbm>>
          tpu.enqueue_dma source(%dma_start3A_348 : memref<25x8x128xf32, #tpu.memory_space<hbm>>) target(%arg8 : memref<25x8x128xf32, #tpu.memory_space<vmem>>) target_semaphore(%arg16 : memref<!tpu.dma_semaphore, #tpu.memory_space<semaphore_mem>>)
        } else {
        }
        %mul3A_247 = arith.constant 1700 : i32
        %mul3A_248 = arith.muli %select_n3A_30, %mul3A_247 : i32
        %add3A_249 = arith.addi %reduce_sum3A_45, %mul3A_248 : i32
        %mul3A_250 = arith.constant 25 : i32
        %mul3A_251 = arith.muli %add3A_236, %mul3A_250 : i32
        %add3A_252 = arith.addi %add3A_249, %mul3A_251 : i32
        %jit3A_253 = arith.constant 0 : i32
        %jit3A_254 = arith.constant 36375 : i32
        %max3A_255 = arith.maxsi %jit3A_253, %add3A_252 : i32
        %min3A_256 = arith.minsi %jit3A_254, %max3A_255 : i32
        %dma_wait3A = arith.constant 0 : i32
        %dma_wait3A_257 = arith.constant 0 : i32
        %dma_wait3A_258 = tpu.memref_slice %arg2[%min3A_256, %dma_wait3A, %dma_wait3A_257] : memref<36400x8x128xf32, #tpu.memory_space<hbm>> -> memref<25x8x128xf32, #tpu.memory_space<hbm>>
        %dma_wait3A_259 = arith.constant 0 : i32
        %dma_wait3A_260 = arith.constant 0 : i32
        %dma_wait3A_261 = tpu.memref_slice %arg2[%min3A_256, %dma_wait3A_259, %dma_wait3A_260] : memref<36400x8x128xf32, #tpu.memory_space<hbm>> -> memref<25x8x128xf32, #tpu.memory_space<hbm>>
        tpu.wait_dma2 semaphore(%arg17 : memref<!tpu.dma_semaphore, #tpu.memory_space<semaphore_mem>>) src(%dma_wait3A_261 : memref<25x8x128xf32, #tpu.memory_space<hbm>>) dst(%arg9 : memref<25x8x128xf32, #tpu.memory_space<vmem>>)
        %ge3A_262 = arith.constant 2 : i32
        %ge3A_263 = arith.cmpi sge, %add3A_236, %ge3A_262 : i32
        %convert_element_type3A_264 = arith.extui %ge3A_263 : i1 to i32
        %cond3A_265 = arith.constant 0 : i32
        %cond3A_266 = arith.cmpi ne, %convert_element_type3A_264, %cond3A_265 : i32
        scf.if %cond3A_266 {
          %sub3A_331 = arith.constant 2 : i32
          %sub3A_332 = arith.subi %add3A_236, %sub3A_331 : i32
          %mul3A_333 = arith.constant 1700 : i32
          %mul3A_334 = arith.muli %select_n3A_30, %mul3A_333 : i32
          %mul3A_335 = arith.constant 25 : i32
          %mul3A_336 = arith.muli %sub3A_332, %mul3A_335 : i32
          %add3A_337 = arith.addi %mul3A_334, %mul3A_336 : i32
          %dma_wait3A_338 = arith.constant 0 : i32
          %dma_wait3A_339 = arith.constant 0 : i32
          %dma_wait3A_340 = tpu.memref_slice %arg6[%select_n3A, %add3A_337, %dma_wait3A_338, %dma_wait3A_339] : memref<16x3400x8x128xf32, #tpu.memory_space<hbm>> -> memref<1x25x8x128xf32, #tpu.memory_space<hbm>>
          %dma_wait3A_341 = tpu.memref_squeeze %dma_wait3A_340 : memref<1x25x8x128xf32, #tpu.memory_space<hbm>> -> memref<25x8x128xf32, #tpu.memory_space<hbm>>
          %dma_wait3A_342 = arith.constant 0 : i32
          %dma_wait3A_343 = arith.constant 0 : i32
          %dma_wait3A_344 = tpu.memref_slice %arg6[%select_n3A, %add3A_337, %dma_wait3A_342, %dma_wait3A_343] : memref<16x3400x8x128xf32, #tpu.memory_space<hbm>> -> memref<1x25x8x128xf32, #tpu.memory_space<hbm>>
          %dma_wait3A_345 = tpu.memref_squeeze %dma_wait3A_344 : memref<1x25x8x128xf32, #tpu.memory_space<hbm>> -> memref<25x8x128xf32, #tpu.memory_space<hbm>>
          tpu.wait_dma2 semaphore(%arg19 : memref<!tpu.dma_semaphore, #tpu.memory_space<semaphore_mem>>) src(%arg11 : memref<25x8x128xf32, #tpu.memory_space<vmem>>) dst(%dma_wait3A_345 : memref<25x8x128xf32, #tpu.memory_space<hbm>>)
        } else {
        }
        %mul3A_267 = arith.constant 1700 : i32
        %mul3A_268 = arith.muli %select_n3A_30, %mul3A_267 : i32
        %mul3A_269 = arith.constant 25 : i32
        %mul3A_270 = arith.muli %add3A_236, %mul3A_269 : i32
        %add3A_271 = arith.addi %mul3A_268, %mul3A_270 : i32
        %sub3A_272 = arith.subi %reduce_sum3A_40, %add3A_271 : i32
        %jit3A_273 = arith.constant 0 : i32
        %jit3A_274 = arith.constant 25 : i32
        %max3A_275 = arith.maxsi %jit3A_273, %sub3A_272 : i32
        %min3A_276 = arith.minsi %jit3A_274, %max3A_275 : i32
        %mul3A_277 = arith.constant 25 : i32
        %mul3A_278 = arith.muli %add3A_236, %mul3A_277 : i32
        %add3A_279 = arith.addi %sub3A_68, %mul3A_278 : i32
        %get3A_280 = arith.index_cast %add3A_279 : i32 to index
        %get3A_281 = tpu.vector_load %arg13[%get3A_280] {strides = array<i32>} : memref<1728xi32, #tpu.memory_space<vmem>>, vector<16xi32>,
        %add3A_282 = arith.constant 25 : i32
        %add3A_283 = arith.addi %add3A_279, %add3A_282 : i32
        %sub3A_284 = arith.constant 16 : i32
        %sub3A_285 = arith.subi %add3A_283, %sub3A_284 : i32
        %get3A_286 = arith.index_cast %sub3A_285 : i32 to index
        %get3A_287 = tpu.vector_load %arg13[%get3A_286] {strides = array<i32>} : memref<1728xi32, #tpu.memory_space<vmem>>, vector<16xi32>,
        %min3A_288 = arith.minsi %get3A_281, %get3A_287 : vector<16xi32>
        %reduce_min3A = arith.constant true
        %reduce_min3A_289 = vector.broadcast %reduce_min3A : i1 to vector<16xi1>
        %reduce_min3A_290 = arith.constant -2147483648 : i32
        %reduce_min3A_291 = vector.broadcast %reduce_min3A_290 : i32 to vector<16xi32>
        %reduce_min3A_292 = arith.xori %min3A_288, %reduce_min3A_291 : vector<16xi32>
        %reduce_min3A_293 = tpu.scan <min>, %reduce_min3A_292 masked %reduce_min3A_289 : vector<16xi32>, vector<16xi1> -> vector<16xi32>
        %reduce_min3A_294 = arith.xori %reduce_min3A_293, %reduce_min3A_291 : vector<16xi32>
        %reduce_min3A_295 = vector.extract %reduce_min3A_294[15] : i32 from vector<16xi32>
        %max3A_296 = arith.maxsi %get3A_281, %get3A_287 : vector<16xi32>
        %reduce_max3A = arith.constant true
        %reduce_max3A_297 = vector.broadcast %reduce_max3A : i1 to vector<16xi1>
        %reduce_max3A_298 = arith.constant -2147483648 : i32
        %reduce_max3A_299 = vector.broadcast %reduce_max3A_298 : i32 to vector<16xi32>
        %reduce_max3A_300 = arith.xori %max3A_296, %reduce_max3A_299 : vector<16xi32>
        %reduce_max3A_301 = tpu.scan <max>, %reduce_max3A_300 masked %reduce_max3A_297 : vector<16xi32>, vector<16xi1> -> vector<16xi32>
        %reduce_max3A_302 = arith.xori %reduce_max3A_301, %reduce_max3A_299 : vector<16xi32>
        %reduce_max3A_303 = vector.extract %reduce_max3A_302[15] : i32 from vector<16xi32>
        %eq3A_304 = arith.cmpi eq, %reduce_min3A_295, %reduce_max3A_303 : i32
        %jit3A_305 = arith.constant 0 : i32
        %jit3A_306 = arith.constant 4 : i32
        %max3A_307 = arith.maxsi %jit3A_305, %reduce_min3A_295 : i32
        %min3A_308 = arith.minsi %jit3A_306, %max3A_307 : i32
        %convert_element_type3A_309 = arith.extui %eq3A_304 : i1 to i32
        %cond3A_310 = arith.constant 0 : i32
        %cond3A_311 = arith.cmpi ne, %convert_element_type3A_309, %cond3A_310 : i32
        scf.if %cond3A_311 {
          %mul3A_331 = arith.constant 64 : i32
          %mul3A_332 = arith.muli %min3A_276, %mul3A_331 : i32
          %parallel_loop3A_333 = arith.constant 0 : i32
          %parallel_loop3A_334 = arith.constant 1 : i32
          scf.for %parallel_loop3A_335 = %parallel_loop3A_333 to %mul3A_332 step %parallel_loop3A_334  : i32 {
            %parallel_loop3A_336 = arith.constant 64 : i32
            %parallel_loop3A_337 = arith.divsi %parallel_loop3A_335, %parallel_loop3A_336 : i32
            %parallel_loop3A_338 = arith.constant 0 : i32
            %parallel_loop3A_339 = arith.cmpi sgt, %parallel_loop3A_335, %parallel_loop3A_338 : i32
            %parallel_loop3A_340 = arith.extui %parallel_loop3A_339 : i1 to i32
            %parallel_loop3A_341 = arith.constant 0 : i32
            %parallel_loop3A_342 = arith.cmpi slt, %parallel_loop3A_335, %parallel_loop3A_341 : i32
            %parallel_loop3A_343 = arith.extui %parallel_loop3A_342 : i1 to i32
            %parallel_loop3A_344 = arith.subi %parallel_loop3A_340, %parallel_loop3A_343 : i32
            %parallel_loop3A_345 = arith.constant 0 : i32
            %parallel_loop3A_346 = arith.cmpi sgt, %parallel_loop3A_336, %parallel_loop3A_345 : i32
            %parallel_loop3A_347 = arith.extui %parallel_loop3A_346 : i1 to i32
            %parallel_loop3A_348 = arith.constant 0 : i32
            %parallel_loop3A_349 = arith.cmpi slt, %parallel_loop3A_336, %parallel_loop3A_348 : i32
            %parallel_loop3A_350 = arith.extui %parallel_loop3A_349 : i1 to i32
            %parallel_loop3A_351 = arith.subi %parallel_loop3A_347, %parallel_loop3A_350 : i32
            %parallel_loop3A_352 = arith.cmpi ne, %parallel_loop3A_344, %parallel_loop3A_351 : i32
            %parallel_loop3A_353 = arith.remsi %parallel_loop3A_335, %parallel_loop3A_336 : i32
            %parallel_loop3A_354 = arith.constant 0 : i32
            %parallel_loop3A_355 = arith.cmpi ne, %parallel_loop3A_353, %parallel_loop3A_354 : i32
            %parallel_loop3A_356 = arith.andi %parallel_loop3A_352, %parallel_loop3A_355 : i1
            %parallel_loop3A_357 = arith.constant 1 : i32
            %parallel_loop3A_358 = arith.subi %parallel_loop3A_337, %parallel_loop3A_357 : i32
            %parallel_loop3A_359 = arith.select %parallel_loop3A_356, %parallel_loop3A_358, %parallel_loop3A_337 : i32
            %parallel_loop3A_360 = arith.constant 64 : i32
            %parallel_loop3A_361 = arith.constant 0 : i32
            %parallel_loop3A_362 = arith.cmpi eq, %parallel_loop3A_360, %parallel_loop3A_361 : i32
            %parallel_loop3A_363 = arith.constant 1 : i32
            %parallel_loop3A_364 = arith.select %parallel_loop3A_362, %parallel_loop3A_363, %parallel_loop3A_360 : i32
            %parallel_loop3A_365 = arith.remsi %parallel_loop3A_335, %parallel_loop3A_364 : i32
            %parallel_loop3A_366 = arith.constant 0 : i32
            %parallel_loop3A_367 = arith.cmpi ne, %parallel_loop3A_365, %parallel_loop3A_366 : i32
            %parallel_loop3A_368 = arith.constant 0 : i32
            %parallel_loop3A_369 = arith.cmpi slt, %parallel_loop3A_365, %parallel_loop3A_368 : i32
            %parallel_loop3A_370 = arith.constant 0 : i32
            %parallel_loop3A_371 = arith.cmpi slt, %parallel_loop3A_364, %parallel_loop3A_370 : i32
            %parallel_loop3A_372 = arith.xori %parallel_loop3A_369, %parallel_loop3A_371 : i1
            %parallel_loop3A_373 = arith.andi %parallel_loop3A_372, %parallel_loop3A_367 : i1
            %parallel_loop3A_374 = arith.addi %parallel_loop3A_365, %parallel_loop3A_364 : i32
            %parallel_loop3A_375 = arith.select %parallel_loop3A_373, %parallel_loop3A_374, %parallel_loop3A_365 : i32
            %parallel_loop3A_376 = arith.constant 8 : i32
            %parallel_loop3A_377 = arith.divsi %parallel_loop3A_375, %parallel_loop3A_376 : i32
            %parallel_loop3A_378 = arith.constant 0 : i32
            %parallel_loop3A_379 = arith.cmpi sgt, %parallel_loop3A_375, %parallel_loop3A_378 : i32
            %parallel_loop3A_380 = arith.extui %parallel_loop3A_379 : i1 to i32
            %parallel_loop3A_381 = arith.constant 0 : i32
            %parallel_loop3A_382 = arith.cmpi slt, %parallel_loop3A_375, %parallel_loop3A_381 : i32
            %parallel_loop3A_383 = arith.extui %parallel_loop3A_382 : i1 to i32
            %parallel_loop3A_384 = arith.subi %parallel_loop3A_380, %parallel_loop3A_383 : i32
            %parallel_loop3A_385 = arith.constant 0 : i32
            %parallel_loop3A_386 = arith.cmpi sgt, %parallel_loop3A_376, %parallel_loop3A_385 : i32
            %parallel_loop3A_387 = arith.extui %parallel_loop3A_386 : i1 to i32
            %parallel_loop3A_388 = arith.constant 0 : i32
            %parallel_loop3A_389 = arith.cmpi slt, %parallel_loop3A_376, %parallel_loop3A_388 : i32
            %parallel_loop3A_390 = arith.extui %parallel_loop3A_389 : i1 to i32
            %parallel_loop3A_391 = arith.subi %parallel_loop3A_387, %parallel_loop3A_390 : i32
            %parallel_loop3A_392 = arith.cmpi ne, %parallel_loop3A_384, %parallel_loop3A_391 : i32
            %parallel_loop3A_393 = arith.remsi %parallel_loop3A_375, %parallel_loop3A_376 : i32
            %parallel_loop3A_394 = arith.constant 0 : i32
            %parallel_loop3A_395 = arith.cmpi ne, %parallel_loop3A_393, %parallel_loop3A_394 : i32
            %parallel_loop3A_396 = arith.andi %parallel_loop3A_392, %parallel_loop3A_395 : i1
            %parallel_loop3A_397 = arith.constant 1 : i32
            %parallel_loop3A_398 = arith.subi %parallel_loop3A_377, %parallel_loop3A_397 : i32
            %parallel_loop3A_399 = arith.select %parallel_loop3A_396, %parallel_loop3A_398, %parallel_loop3A_377 : i32
            %parallel_loop3A_400 = arith.constant 8 : i32
            %parallel_loop3A_401 = arith.constant 0 : i32
            %parallel_loop3A_402 = arith.cmpi eq, %parallel_loop3A_400, %parallel_loop3A_401 : i32
            %parallel_loop3A_403 = arith.constant 1 : i32
            %parallel_loop3A_404 = arith.select %parallel_loop3A_402, %parallel_loop3A_403, %parallel_loop3A_400 : i32
            %parallel_loop3A_405 = arith.remsi %parallel_loop3A_375, %parallel_loop3A_404 : i32
            %parallel_loop3A_406 = arith.constant 0 : i32
            %parallel_loop3A_407 = arith.cmpi ne, %parallel_loop3A_405, %parallel_loop3A_406 : i32
            %parallel_loop3A_408 = arith.constant 0 : i32
            %parallel_loop3A_409 = arith.cmpi slt, %parallel_loop3A_405, %parallel_loop3A_408 : i32
            %parallel_loop3A_410 = arith.constant 0 : i32
            %parallel_loop3A_411 = arith.cmpi slt, %parallel_loop3A_404, %parallel_loop3A_410 : i32
            %parallel_loop3A_412 = arith.xori %parallel_loop3A_409, %parallel_loop3A_411 : i1
            %parallel_loop3A_413 = arith.andi %parallel_loop3A_412, %parallel_loop3A_407 : i1
            %parallel_loop3A_414 = arith.addi %parallel_loop3A_405, %parallel_loop3A_404 : i32
            %parallel_loop3A_415 = arith.select %parallel_loop3A_413, %parallel_loop3A_414, %parallel_loop3A_405 : i32
            %parallel_loop3A_416 = arith.constant 16 : i32
            %parallel_loop3A_417 = arith.muli %parallel_loop3A_415, %parallel_loop3A_416 : i32
            %parallel_loop3A_418 = arith.index_cast %parallel_loop3A_359 : i32 to index
            %parallel_loop3A_419 = arith.index_cast %parallel_loop3A_399 : i32 to index
            %parallel_loop3A_420 = arith.index_cast %parallel_loop3A_417 : i32 to index
            %parallel_loop3A_421 = tpu.vector_load %arg9[%parallel_loop3A_418, %parallel_loop3A_419, %parallel_loop3A_420] {strides = array<i32>} : memref<25x8x128xf32, #tpu.memory_space<vmem>>, vector<16xf32>,
            %parallel_loop3A_422 = arith.constant 0 : i32
            %parallel_loop3A_423 = arith.constant 0 : i32
            %parallel_loop3A_424 = tpu.memref_slice %arg12[%min3A_308, %parallel_loop3A_422, %parallel_loop3A_423] : memref<5x8x128xf32, #tpu.memory_space<vmem>> -> memref<1x8x128xf32, #tpu.memory_space<vmem>>
            %parallel_loop3A_425 = tpu.memref_squeeze %parallel_loop3A_424 : memref<1x8x128xf32, #tpu.memory_space<vmem>> -> memref<8x128xf32, #tpu.memory_space<vmem>>
            %parallel_loop3A_426 = arith.index_cast %parallel_loop3A_399 : i32 to index
            %parallel_loop3A_427 = arith.index_cast %parallel_loop3A_417 : i32 to index
            %parallel_loop3A_428 = tpu.vector_load %parallel_loop3A_425[%parallel_loop3A_426, %parallel_loop3A_427] {strides = array<i32>} : memref<8x128xf32, #tpu.memory_space<vmem>>, vector<16xf32>,
            %parallel_loop3A_429 = arith.addf %parallel_loop3A_421, %parallel_loop3A_428 : vector<16xf32>
            %parallel_loop3A_430 = arith.index_cast %parallel_loop3A_359 : i32 to index
            %parallel_loop3A_431 = arith.index_cast %parallel_loop3A_399 : i32 to index
            %parallel_loop3A_432 = arith.index_cast %parallel_loop3A_417 : i32 to index
            %parallel_loop3A_433 = tpu.vector_load %arg11[%parallel_loop3A_430, %parallel_loop3A_431, %parallel_loop3A_432] {strides = array<i32>} : memref<25x8x128xf32, #tpu.memory_space<vmem>>, vector<16xf32>,
            tpu.vector_store %arg11[%parallel_loop3A_430, %parallel_loop3A_431, %parallel_loop3A_432], %parallel_loop3A_429 {strides = array<i32>} : memref<25x8x128xf32, #tpu.memory_space<vmem>>, vector<16xf32>,
          } {sc.loop_unroll_factor = 8 : i64, sc.parallel_access}
        } else {
        }
        %not3A = arith.constant true
        %not3A_312 = arith.xori %eq3A_304, %not3A : i1
        %convert_element_type3A_313 = arith.extui %not3A_312 : i1 to i32
        %cond3A_314 = arith.constant 0 : i32
        %cond3A_315 = arith.cmpi ne, %convert_element_type3A_313, %cond3A_314 : i32
        scf.if %cond3A_315 {
          %while3A = arith.constant 0 : i32
          %while3A_331 = arith.constant 0 : i32
          %while3A_332 = arith.subi %min3A_276, %while3A_331 : i32
          %while3A_333 = arith.addi %while3A_331, %while3A_332 : i32
          %while3A_334 = arith.constant 1 : i32
          %while3A_335 = arith.divsi %while3A_332, %while3A_334 : i32
          %while3A_336 = arith.muli %while3A_335, %while3A_334 : i32
          %while3A_337 = arith.addi %while3A_331, %while3A_336 : i32
          %while3A_338 = arith.constant 1 : i32
          scf.for %while3A_340 = %while3A_331 to %while3A_337 step %while3A_338  : i32 {
            %add3A_341 = arith.addi %add3A_279, %while3A_340 : i32
            %min3A_342 = arith.constant 1712 : i32
            %min3A_343 = arith.minsi %add3A_341, %min3A_342 : i32
            %get3A_344 = arith.index_cast %min3A_343 : i32 to index
            %get3A_345 = tpu.vector_load %arg13[%get3A_344] {strides = array<i32>} : memref<1728xi32, #tpu.memory_space<vmem>>, vector<16xi32>,
            %eq3A_346 = arith.constant 0 : i32
            %eq3A_347 = vector.broadcast %eq3A_346 : i32 to vector<16xi32>
            %eq3A_348 = arith.cmpi eq, %iota3A, %eq3A_347 : vector<16xi32>
            %jit3A_349 = arith.constant 0 : i32
            %broadcast_in_dim3A_350 = vector.broadcast %jit3A_349 : i32 to vector<16xi32>
            %select_n3A_351 = arith.select %eq3A_348, %get3A_345, %broadcast_in_dim3A_350 : vector<16xi1>, vector<16xi32>
            %reduce_sum3A_352 = arith.constant true
            %reduce_sum3A_353 = vector.broadcast %reduce_sum3A_352 : i1 to vector<16xi1>
            %reduce_sum3A_354 = tpu.scan <sum>, %select_n3A_351 masked %reduce_sum3A_353 : vector<16xi32>, vector<16xi1> -> vector<16xi32>
            %reduce_sum3A_355 = vector.extract %reduce_sum3A_354[15] : i32 from vector<16xi32>
            %jit3A_356 = arith.constant 0 : i32
            %jit3A_357 = arith.constant 4 : i32
            %max3A_358 = arith.maxsi %jit3A_356, %reduce_sum3A_355 : i32
            %min3A_359 = arith.minsi %jit3A_357, %max3A_358 : i32
            %parallel_loop3A_360 = arith.constant 0 : i32
            %parallel_loop3A_361 = arith.constant 64 : i32
            %parallel_loop3A_362 = arith.constant 1 : i32
            scf.for %parallel_loop3A_363 = %parallel_loop3A_360 to %parallel_loop3A_361 step %parallel_loop3A_362  : i32 {
              %parallel_loop3A_364 = arith.constant 8 : i32
              %parallel_loop3A_365 = arith.divsi %parallel_loop3A_363, %parallel_loop3A_364 : i32
              %parallel_loop3A_366 = arith.constant 0 : i32
              %parallel_loop3A_367 = arith.cmpi sgt, %parallel_loop3A_363, %parallel_loop3A_366 : i32
              %parallel_loop3A_368 = arith.extui %parallel_loop3A_367 : i1 to i32
              %parallel_loop3A_369 = arith.constant 0 : i32
              %parallel_loop3A_370 = arith.cmpi slt, %parallel_loop3A_363, %parallel_loop3A_369 : i32
              %parallel_loop3A_371 = arith.extui %parallel_loop3A_370 : i1 to i32
              %parallel_loop3A_372 = arith.subi %parallel_loop3A_368, %parallel_loop3A_371 : i32
              %parallel_loop3A_373 = arith.constant 0 : i32
              %parallel_loop3A_374 = arith.cmpi sgt, %parallel_loop3A_364, %parallel_loop3A_373 : i32
              %parallel_loop3A_375 = arith.extui %parallel_loop3A_374 : i1 to i32
              %parallel_loop3A_376 = arith.constant 0 : i32
              %parallel_loop3A_377 = arith.cmpi slt, %parallel_loop3A_364, %parallel_loop3A_376 : i32
              %parallel_loop3A_378 = arith.extui %parallel_loop3A_377 : i1 to i32
              %parallel_loop3A_379 = arith.subi %parallel_loop3A_375, %parallel_loop3A_378 : i32
              %parallel_loop3A_380 = arith.cmpi ne, %parallel_loop3A_372, %parallel_loop3A_379 : i32
              %parallel_loop3A_381 = arith.remsi %parallel_loop3A_363, %parallel_loop3A_364 : i32
              %parallel_loop3A_382 = arith.constant 0 : i32
              %parallel_loop3A_383 = arith.cmpi ne, %parallel_loop3A_381, %parallel_loop3A_382 : i32
              %parallel_loop3A_384 = arith.andi %parallel_loop3A_380, %parallel_loop3A_383 : i1
              %parallel_loop3A_385 = arith.constant 1 : i32
              %parallel_loop3A_386 = arith.subi %parallel_loop3A_365, %parallel_loop3A_385 : i32
              %parallel_loop3A_387 = arith.select %parallel_loop3A_384, %parallel_loop3A_386, %parallel_loop3A_365 : i32
              %parallel_loop3A_388 = arith.constant 8 : i32
              %parallel_loop3A_389 = arith.constant 0 : i32
              %parallel_loop3A_390 = arith.cmpi eq, %parallel_loop3A_388, %parallel_loop3A_389 : i32
              %parallel_loop3A_391 = arith.constant 1 : i32
              %parallel_loop3A_392 = arith.select %parallel_loop3A_390, %parallel_loop3A_391, %parallel_loop3A_388 : i32
              %parallel_loop3A_393 = arith.remsi %parallel_loop3A_363, %parallel_loop3A_392 : i32
              %parallel_loop3A_394 = arith.constant 0 : i32
              %parallel_loop3A_395 = arith.cmpi ne, %parallel_loop3A_393, %parallel_loop3A_394 : i32
              %parallel_loop3A_396 = arith.constant 0 : i32
              %parallel_loop3A_397 = arith.cmpi slt, %parallel_loop3A_393, %parallel_loop3A_396 : i32
              %parallel_loop3A_398 = arith.constant 0 : i32
              %parallel_loop3A_399 = arith.cmpi slt, %parallel_loop3A_392, %parallel_loop3A_398 : i32
              %parallel_loop3A_400 = arith.xori %parallel_loop3A_397, %parallel_loop3A_399 : i1
              %parallel_loop3A_401 = arith.andi %parallel_loop3A_400, %parallel_loop3A_395 : i1
              %parallel_loop3A_402 = arith.addi %parallel_loop3A_393, %parallel_loop3A_392 : i32
              %parallel_loop3A_403 = arith.select %parallel_loop3A_401, %parallel_loop3A_402, %parallel_loop3A_393 : i32
              %parallel_loop3A_404 = arith.constant 16 : i32
              %parallel_loop3A_405 = arith.muli %parallel_loop3A_403, %parallel_loop3A_404 : i32
              %parallel_loop3A_406 = arith.index_cast %while3A_340 : i32 to index
              %parallel_loop3A_407 = arith.index_cast %parallel_loop3A_387 : i32 to index
              %parallel_loop3A_408 = arith.index_cast %parallel_loop3A_405 : i32 to index
              %parallel_loop3A_409 = tpu.vector_load %arg9[%parallel_loop3A_406, %parallel_loop3A_407, %parallel_loop3A_408] {strides = array<i32>} : memref<25x8x128xf32, #tpu.memory_space<vmem>>, vector<16xf32>,
              %parallel_loop3A_410 = arith.constant 0 : i32
              %parallel_loop3A_411 = arith.constant 0 : i32
              %parallel_loop3A_412 = tpu.memref_slice %arg12[%min3A_359, %parallel_loop3A_410, %parallel_loop3A_411] : memref<5x8x128xf32, #tpu.memory_space<vmem>> -> memref<1x8x128xf32, #tpu.memory_space<vmem>>
              %parallel_loop3A_413 = tpu.memref_squeeze %parallel_loop3A_412 : memref<1x8x128xf32, #tpu.memory_space<vmem>> -> memref<8x128xf32, #tpu.memory_space<vmem>>
              %parallel_loop3A_414 = arith.index_cast %parallel_loop3A_387 : i32 to index
              %parallel_loop3A_415 = arith.index_cast %parallel_loop3A_405 : i32 to index
              %parallel_loop3A_416 = tpu.vector_load %parallel_loop3A_413[%parallel_loop3A_414, %parallel_loop3A_415] {strides = array<i32>} : memref<8x128xf32, #tpu.memory_space<vmem>>, vector<16xf32>,
              %parallel_loop3A_417 = arith.addf %parallel_loop3A_409, %parallel_loop3A_416 : vector<16xf32>
              %parallel_loop3A_418 = arith.index_cast %while3A_340 : i32 to index
              %parallel_loop3A_419 = arith.index_cast %parallel_loop3A_387 : i32 to index
              %parallel_loop3A_420 = arith.index_cast %parallel_loop3A_405 : i32 to index
              %parallel_loop3A_421 = tpu.vector_load %arg11[%parallel_loop3A_418, %parallel_loop3A_419, %parallel_loop3A_420] {strides = array<i32>} : memref<25x8x128xf32, #tpu.memory_space<vmem>>, vector<16xf32>,
              tpu.vector_store %arg11[%parallel_loop3A_418, %parallel_loop3A_419, %parallel_loop3A_420], %parallel_loop3A_417 {strides = array<i32>} : memref<25x8x128xf32, #tpu.memory_space<vmem>>, vector<16xf32>,
            } {sc.loop_unroll_factor = 8 : i64, sc.parallel_access}
          }
          %while3A_339 = arith.constant 1 : i32
          scf.for %while3A_340 = %while3A_337 to %while3A_333 step %while3A_339  : i32 {
            %add3A_341 = arith.addi %add3A_279, %while3A_340 : i32
            %min3A_342 = arith.constant 1712 : i32
            %min3A_343 = arith.minsi %add3A_341, %min3A_342 : i32
            %get3A_344 = arith.index_cast %min3A_343 : i32 to index
            %get3A_345 = tpu.vector_load %arg13[%get3A_344] {strides = array<i32>} : memref<1728xi32, #tpu.memory_space<vmem>>, vector<16xi32>,
            %eq3A_346 = arith.constant 0 : i32
            %eq3A_347 = vector.broadcast %eq3A_346 : i32 to vector<16xi32>
            %eq3A_348 = arith.cmpi eq, %iota3A, %eq3A_347 : vector<16xi32>
            %jit3A_349 = arith.constant 0 : i32
            %broadcast_in_dim3A_350 = vector.broadcast %jit3A_349 : i32 to vector<16xi32>
            %select_n3A_351 = arith.select %eq3A_348, %get3A_345, %broadcast_in_dim3A_350 : vector<16xi1>, vector<16xi32>
            %reduce_sum3A_352 = arith.constant true
            %reduce_sum3A_353 = vector.broadcast %reduce_sum3A_352 : i1 to vector<16xi1>
            %reduce_sum3A_354 = tpu.scan <sum>, %select_n3A_351 masked %reduce_sum3A_353 : vector<16xi32>, vector<16xi1> -> vector<16xi32>
            %reduce_sum3A_355 = vector.extract %reduce_sum3A_354[15] : i32 from vector<16xi32>
            %jit3A_356 = arith.constant 0 : i32
            %jit3A_357 = arith.constant 4 : i32
            %max3A_358 = arith.maxsi %jit3A_356, %reduce_sum3A_355 : i32
            %min3A_359 = arith.minsi %jit3A_357, %max3A_358 : i32
            %parallel_loop3A_360 = arith.constant 0 : i32
            %parallel_loop3A_361 = arith.constant 64 : i32
            %parallel_loop3A_362 = arith.constant 1 : i32
            scf.for %parallel_loop3A_363 = %parallel_loop3A_360 to %parallel_loop3A_361 step %parallel_loop3A_362  : i32 {
              %parallel_loop3A_364 = arith.constant 8 : i32
              %parallel_loop3A_365 = arith.divsi %parallel_loop3A_363, %parallel_loop3A_364 : i32
              %parallel_loop3A_366 = arith.constant 0 : i32
              %parallel_loop3A_367 = arith.cmpi sgt, %parallel_loop3A_363, %parallel_loop3A_366 : i32
              %parallel_loop3A_368 = arith.extui %parallel_loop3A_367 : i1 to i32
              %parallel_loop3A_369 = arith.constant 0 : i32
              %parallel_loop3A_370 = arith.cmpi slt, %parallel_loop3A_363, %parallel_loop3A_369 : i32
              %parallel_loop3A_371 = arith.extui %parallel_loop3A_370 : i1 to i32
              %parallel_loop3A_372 = arith.subi %parallel_loop3A_368, %parallel_loop3A_371 : i32
              %parallel_loop3A_373 = arith.constant 0 : i32
              %parallel_loop3A_374 = arith.cmpi sgt, %parallel_loop3A_364, %parallel_loop3A_373 : i32
              %parallel_loop3A_375 = arith.extui %parallel_loop3A_374 : i1 to i32
              %parallel_loop3A_376 = arith.constant 0 : i32
              %parallel_loop3A_377 = arith.cmpi slt, %parallel_loop3A_364, %parallel_loop3A_376 : i32
              %parallel_loop3A_378 = arith.extui %parallel_loop3A_377 : i1 to i32
              %parallel_loop3A_379 = arith.subi %parallel_loop3A_375, %parallel_loop3A_378 : i32
              %parallel_loop3A_380 = arith.cmpi ne, %parallel_loop3A_372, %parallel_loop3A_379 : i32
              %parallel_loop3A_381 = arith.remsi %parallel_loop3A_363, %parallel_loop3A_364 : i32
              %parallel_loop3A_382 = arith.constant 0 : i32
              %parallel_loop3A_383 = arith.cmpi ne, %parallel_loop3A_381, %parallel_loop3A_382 : i32
              %parallel_loop3A_384 = arith.andi %parallel_loop3A_380, %parallel_loop3A_383 : i1
              %parallel_loop3A_385 = arith.constant 1 : i32
              %parallel_loop3A_386 = arith.subi %parallel_loop3A_365, %parallel_loop3A_385 : i32
              %parallel_loop3A_387 = arith.select %parallel_loop3A_384, %parallel_loop3A_386, %parallel_loop3A_365 : i32
              %parallel_loop3A_388 = arith.constant 8 : i32
              %parallel_loop3A_389 = arith.constant 0 : i32
              %parallel_loop3A_390 = arith.cmpi eq, %parallel_loop3A_388, %parallel_loop3A_389 : i32
              %parallel_loop3A_391 = arith.constant 1 : i32
              %parallel_loop3A_392 = arith.select %parallel_loop3A_390, %parallel_loop3A_391, %parallel_loop3A_388 : i32
              %parallel_loop3A_393 = arith.remsi %parallel_loop3A_363, %parallel_loop3A_392 : i32
              %parallel_loop3A_394 = arith.constant 0 : i32
              %parallel_loop3A_395 = arith.cmpi ne, %parallel_loop3A_393, %parallel_loop3A_394 : i32
              %parallel_loop3A_396 = arith.constant 0 : i32
              %parallel_loop3A_397 = arith.cmpi slt, %parallel_loop3A_393, %parallel_loop3A_396 : i32
              %parallel_loop3A_398 = arith.constant 0 : i32
              %parallel_loop3A_399 = arith.cmpi slt, %parallel_loop3A_392, %parallel_loop3A_398 : i32
              %parallel_loop3A_400 = arith.xori %parallel_loop3A_397, %parallel_loop3A_399 : i1
              %parallel_loop3A_401 = arith.andi %parallel_loop3A_400, %parallel_loop3A_395 : i1
              %parallel_loop3A_402 = arith.addi %parallel_loop3A_393, %parallel_loop3A_392 : i32
              %parallel_loop3A_403 = arith.select %parallel_loop3A_401, %parallel_loop3A_402, %parallel_loop3A_393 : i32
              %parallel_loop3A_404 = arith.constant 16 : i32
              %parallel_loop3A_405 = arith.muli %parallel_loop3A_403, %parallel_loop3A_404 : i32
              %parallel_loop3A_406 = arith.index_cast %while3A_340 : i32 to index
              %parallel_loop3A_407 = arith.index_cast %parallel_loop3A_387 : i32 to index
              %parallel_loop3A_408 = arith.index_cast %parallel_loop3A_405 : i32 to index
              %parallel_loop3A_409 = tpu.vector_load %arg9[%parallel_loop3A_406, %parallel_loop3A_407, %parallel_loop3A_408] {strides = array<i32>} : memref<25x8x128xf32, #tpu.memory_space<vmem>>, vector<16xf32>,
              %parallel_loop3A_410 = arith.constant 0 : i32
              %parallel_loop3A_411 = arith.constant 0 : i32
              %parallel_loop3A_412 = tpu.memref_slice %arg12[%min3A_359, %parallel_loop3A_410, %parallel_loop3A_411] : memref<5x8x128xf32, #tpu.memory_space<vmem>> -> memref<1x8x128xf32, #tpu.memory_space<vmem>>
              %parallel_loop3A_413 = tpu.memref_squeeze %parallel_loop3A_412 : memref<1x8x128xf32, #tpu.memory_space<vmem>> -> memref<8x128xf32, #tpu.memory_space<vmem>>
              %parallel_loop3A_414 = arith.index_cast %parallel_loop3A_387 : i32 to index
              %parallel_loop3A_415 = arith.index_cast %parallel_loop3A_405 : i32 to index
              %parallel_loop3A_416 = tpu.vector_load %parallel_loop3A_413[%parallel_loop3A_414, %parallel_loop3A_415] {strides = array<i32>} : memref<8x128xf32, #tpu.memory_space<vmem>>, vector<16xf32>,
              %parallel_loop3A_417 = arith.addf %parallel_loop3A_409, %parallel_loop3A_416 : vector<16xf32>
              %parallel_loop3A_418 = arith.index_cast %while3A_340 : i32 to index
              %parallel_loop3A_419 = arith.index_cast %parallel_loop3A_387 : i32 to index
              %parallel_loop3A_420 = arith.index_cast %parallel_loop3A_405 : i32 to index
              %parallel_loop3A_421 = tpu.vector_load %arg11[%parallel_loop3A_418, %parallel_loop3A_419, %parallel_loop3A_420] {strides = array<i32>} : memref<25x8x128xf32, #tpu.memory_space<vmem>>, vector<16xf32>,
              tpu.vector_store %arg11[%parallel_loop3A_418, %parallel_loop3A_419, %parallel_loop3A_420], %parallel_loop3A_417 {strides = array<i32>} : memref<25x8x128xf32, #tpu.memory_space<vmem>>, vector<16xf32>,
            } {sc.loop_unroll_factor = 8 : i64, sc.parallel_access}
          }
        } else {
        }
        %mul3A_316 = arith.constant 64 : i32
        %mul3A_317 = arith.muli %min3A_276, %mul3A_316 : i32
        %parallel_loop3A = arith.constant 1600 : i32
        %parallel_loop3A_318 = arith.constant 1 : i32
        scf.for %parallel_loop3A_331 = %mul3A_317 to %parallel_loop3A step %parallel_loop3A_318  : i32 {
          %parallel_loop3A_332 = arith.constant 64 : i32
          %parallel_loop3A_333 = arith.divsi %parallel_loop3A_331, %parallel_loop3A_332 : i32
          %parallel_loop3A_334 = arith.constant 0 : i32
          %parallel_loop3A_335 = arith.cmpi sgt, %parallel_loop3A_331, %parallel_loop3A_334 : i32
          %parallel_loop3A_336 = arith.extui %parallel_loop3A_335 : i1 to i32
          %parallel_loop3A_337 = arith.constant 0 : i32
          %parallel_loop3A_338 = arith.cmpi slt, %parallel_loop3A_331, %parallel_loop3A_337 : i32
          %parallel_loop3A_339 = arith.extui %parallel_loop3A_338 : i1 to i32
          %parallel_loop3A_340 = arith.subi %parallel_loop3A_336, %parallel_loop3A_339 : i32
          %parallel_loop3A_341 = arith.constant 0 : i32
          %parallel_loop3A_342 = arith.cmpi sgt, %parallel_loop3A_332, %parallel_loop3A_341 : i32
          %parallel_loop3A_343 = arith.extui %parallel_loop3A_342 : i1 to i32
          %parallel_loop3A_344 = arith.constant 0 : i32
          %parallel_loop3A_345 = arith.cmpi slt, %parallel_loop3A_332, %parallel_loop3A_344 : i32
          %parallel_loop3A_346 = arith.extui %parallel_loop3A_345 : i1 to i32
          %parallel_loop3A_347 = arith.subi %parallel_loop3A_343, %parallel_loop3A_346 : i32
          %parallel_loop3A_348 = arith.cmpi ne, %parallel_loop3A_340, %parallel_loop3A_347 : i32
          %parallel_loop3A_349 = arith.remsi %parallel_loop3A_331, %parallel_loop3A_332 : i32
          %parallel_loop3A_350 = arith.constant 0 : i32
          %parallel_loop3A_351 = arith.cmpi ne, %parallel_loop3A_349, %parallel_loop3A_350 : i32
          %parallel_loop3A_352 = arith.andi %parallel_loop3A_348, %parallel_loop3A_351 : i1
          %parallel_loop3A_353 = arith.constant 1 : i32
          %parallel_loop3A_354 = arith.subi %parallel_loop3A_333, %parallel_loop3A_353 : i32
          %parallel_loop3A_355 = arith.select %parallel_loop3A_352, %parallel_loop3A_354, %parallel_loop3A_333 : i32
          %parallel_loop3A_356 = arith.constant 64 : i32
          %parallel_loop3A_357 = arith.constant 0 : i32
          %parallel_loop3A_358 = arith.cmpi eq, %parallel_loop3A_356, %parallel_loop3A_357 : i32
          %parallel_loop3A_359 = arith.constant 1 : i32
          %parallel_loop3A_360 = arith.select %parallel_loop3A_358, %parallel_loop3A_359, %parallel_loop3A_356 : i32
          %parallel_loop3A_361 = arith.remsi %parallel_loop3A_331, %parallel_loop3A_360 : i32
          %parallel_loop3A_362 = arith.constant 0 : i32
          %parallel_loop3A_363 = arith.cmpi ne, %parallel_loop3A_361, %parallel_loop3A_362 : i32
          %parallel_loop3A_364 = arith.constant 0 : i32
          %parallel_loop3A_365 = arith.cmpi slt, %parallel_loop3A_361, %parallel_loop3A_364 : i32
          %parallel_loop3A_366 = arith.constant 0 : i32
          %parallel_loop3A_367 = arith.cmpi slt, %parallel_loop3A_360, %parallel_loop3A_366 : i32
          %parallel_loop3A_368 = arith.xori %parallel_loop3A_365, %parallel_loop3A_367 : i1
          %parallel_loop3A_369 = arith.andi %parallel_loop3A_368, %parallel_loop3A_363 : i1
          %parallel_loop3A_370 = arith.addi %parallel_loop3A_361, %parallel_loop3A_360 : i32
          %parallel_loop3A_371 = arith.select %parallel_loop3A_369, %parallel_loop3A_370, %parallel_loop3A_361 : i32
          %parallel_loop3A_372 = arith.constant 8 : i32
          %parallel_loop3A_373 = arith.divsi %parallel_loop3A_371, %parallel_loop3A_372 : i32
          %parallel_loop3A_374 = arith.constant 0 : i32
          %parallel_loop3A_375 = arith.cmpi sgt, %parallel_loop3A_371, %parallel_loop3A_374 : i32
          %parallel_loop3A_376 = arith.extui %parallel_loop3A_375 : i1 to i32
          %parallel_loop3A_377 = arith.constant 0 : i32
          %parallel_loop3A_378 = arith.cmpi slt, %parallel_loop3A_371, %parallel_loop3A_377 : i32
          %parallel_loop3A_379 = arith.extui %parallel_loop3A_378 : i1 to i32
          %parallel_loop3A_380 = arith.subi %parallel_loop3A_376, %parallel_loop3A_379 : i32
          %parallel_loop3A_381 = arith.constant 0 : i32
          %parallel_loop3A_382 = arith.cmpi sgt, %parallel_loop3A_372, %parallel_loop3A_381 : i32
          %parallel_loop3A_383 = arith.extui %parallel_loop3A_382 : i1 to i32
          %parallel_loop3A_384 = arith.constant 0 : i32
          %parallel_loop3A_385 = arith.cmpi slt, %parallel_loop3A_372, %parallel_loop3A_384 : i32
          %parallel_loop3A_386 = arith.extui %parallel_loop3A_385 : i1 to i32
          %parallel_loop3A_387 = arith.subi %parallel_loop3A_383, %parallel_loop3A_386 : i32
          %parallel_loop3A_388 = arith.cmpi ne, %parallel_loop3A_380, %parallel_loop3A_387 : i32
          %parallel_loop3A_389 = arith.remsi %parallel_loop3A_371, %parallel_loop3A_372 : i32
          %parallel_loop3A_390 = arith.constant 0 : i32
          %parallel_loop3A_391 = arith.cmpi ne, %parallel_loop3A_389, %parallel_loop3A_390 : i32
          %parallel_loop3A_392 = arith.andi %parallel_loop3A_388, %parallel_loop3A_391 : i1
          %parallel_loop3A_393 = arith.constant 1 : i32
          %parallel_loop3A_394 = arith.subi %parallel_loop3A_373, %parallel_loop3A_393 : i32
          %parallel_loop3A_395 = arith.select %parallel_loop3A_392, %parallel_loop3A_394, %parallel_loop3A_373 : i32
          %parallel_loop3A_396 = arith.constant 8 : i32
          %parallel_loop3A_397 = arith.constant 0 : i32
          %parallel_loop3A_398 = arith.cmpi eq, %parallel_loop3A_396, %parallel_loop3A_397 : i32
          %parallel_loop3A_399 = arith.constant 1 : i32
          %parallel_loop3A_400 = arith.select %parallel_loop3A_398, %parallel_loop3A_399, %parallel_loop3A_396 : i32
          %parallel_loop3A_401 = arith.remsi %parallel_loop3A_371, %parallel_loop3A_400 : i32
          %parallel_loop3A_402 = arith.constant 0 : i32
          %parallel_loop3A_403 = arith.cmpi ne, %parallel_loop3A_401, %parallel_loop3A_402 : i32
          %parallel_loop3A_404 = arith.constant 0 : i32
          %parallel_loop3A_405 = arith.cmpi slt, %parallel_loop3A_401, %parallel_loop3A_404 : i32
          %parallel_loop3A_406 = arith.constant 0 : i32
          %parallel_loop3A_407 = arith.cmpi slt, %parallel_loop3A_400, %parallel_loop3A_406 : i32
          %parallel_loop3A_408 = arith.xori %parallel_loop3A_405, %parallel_loop3A_407 : i1
          %parallel_loop3A_409 = arith.andi %parallel_loop3A_408, %parallel_loop3A_403 : i1
          %parallel_loop3A_410 = arith.addi %parallel_loop3A_401, %parallel_loop3A_400 : i32
          %parallel_loop3A_411 = arith.select %parallel_loop3A_409, %parallel_loop3A_410, %parallel_loop3A_401 : i32
          %parallel_loop3A_412 = arith.constant 16 : i32
          %parallel_loop3A_413 = arith.muli %parallel_loop3A_411, %parallel_loop3A_412 : i32
          %parallel_loop3A_414 = arith.index_cast %parallel_loop3A_355 : i32 to index
          %parallel_loop3A_415 = arith.index_cast %parallel_loop3A_395 : i32 to index
          %parallel_loop3A_416 = arith.index_cast %parallel_loop3A_413 : i32 to index
          %parallel_loop3A_417 = tpu.vector_load %arg11[%parallel_loop3A_414, %parallel_loop3A_415, %parallel_loop3A_416] {strides = array<i32>} : memref<25x8x128xf32, #tpu.memory_space<vmem>>, vector<16xf32>,
          tpu.vector_store %arg11[%parallel_loop3A_414, %parallel_loop3A_415, %parallel_loop3A_416], %broadcast_in_dim3A_111 {strides = array<i32>} : memref<25x8x128xf32, #tpu.memory_space<vmem>>, vector<16xf32>,
        } {sc.loop_unroll_factor = 8 : i64, sc.parallel_access}
        %mul3A_319 = arith.constant 1700 : i32
        %mul3A_320 = arith.muli %select_n3A_30, %mul3A_319 : i32
        %mul3A_321 = arith.constant 25 : i32
        %mul3A_322 = arith.muli %add3A_236, %mul3A_321 : i32
        %add3A_323 = arith.addi %mul3A_320, %mul3A_322 : i32
        %dma_start3A = arith.constant 0 : i32
        %dma_start3A_324 = arith.constant 0 : i32
        %dma_start3A_325 = tpu.memref_slice %arg6[%select_n3A, %add3A_323, %dma_start3A, %dma_start3A_324] : memref<16x3400x8x128xf32, #tpu.memory_space<hbm>> -> memref<1x25x8x128xf32, #tpu.memory_space<hbm>>
        %dma_start3A_326 = tpu.memref_squeeze %dma_start3A_325 : memref<1x25x8x128xf32, #tpu.memory_space<hbm>> -> memref<25x8x128xf32, #tpu.memory_space<hbm>>
        %dma_start3A_327 = arith.constant 0 : i32
        %dma_start3A_328 = arith.constant 0 : i32
        %dma_start3A_329 = tpu.memref_slice %arg6[%select_n3A, %add3A_323, %dma_start3A_327, %dma_start3A_328] : memref<16x3400x8x128xf32, #tpu.memory_space<hbm>> -> memref<1x25x8x128xf32, #tpu.memory_space<hbm>>
        %dma_start3A_330 = tpu.memref_squeeze %dma_start3A_329 : memref<1x25x8x128xf32, #tpu.memory_space<hbm>> -> memref<25x8x128xf32, #tpu.memory_space<hbm>>
        tpu.enqueue_dma source(%arg11 : memref<25x8x128xf32, #tpu.memory_space<vmem>>) target(%dma_start3A_330 : memref<25x8x128xf32, #tpu.memory_space<hbm>>) target_semaphore(%arg19 : memref<!tpu.dma_semaphore, #tpu.memory_space<semaphore_mem>>)
      } else {
      }
    }
    %scan3A_120 = arith.constant 34 : i32
    %sub3A_121 = arith.constant 1 : i32
    %sub3A_122 = arith.subi %mul3A_110, %sub3A_121 : i32
    %jit3A_123 = arith.constant 2 : i32
    %eq3A_124 = arith.constant 0 : i32
    %eq3A_125 = arith.cmpi eq, %jit3A_123, %eq3A_124 : i32
    %jit3A_126 = arith.constant 1 : i32
    %select_n3A_127 = arith.select %eq3A_125, %jit3A_126, %jit3A_123 : i32
    %rem3A_128 = arith.remsi %sub3A_122, %select_n3A_127 : i32
    %ne3A_129 = arith.constant 0 : i32
    %ne3A_130 = arith.cmpi ne, %rem3A_128, %ne3A_129 : i32
    %lt3A_131 = arith.constant 0 : i32
    %lt3A_132 = arith.cmpi slt, %rem3A_128, %lt3A_131 : i32
    %lt3A_133 = arith.constant 0 : i32
    %lt3A_134 = arith.cmpi slt, %select_n3A_127, %lt3A_133 : i32
    %ne3A_135 = arith.xori %lt3A_132, %lt3A_134 : i1
    %and3A_136 = arith.andi %ne3A_135, %ne3A_130 : i1
    %add3A_137 = arith.addi %rem3A_128, %select_n3A_127 : i32
    %select_n3A_138 = arith.select %and3A_136, %add3A_137, %rem3A_128 : i32
    %eq3A_139 = arith.constant 0 : i32
    %eq3A_140 = arith.cmpi eq, %select_n3A_138, %eq3A_139 : i32
    %ge3A = arith.constant 1 : i32
    %ge3A_141 = arith.cmpi sge, %mul3A_110, %ge3A : i32
    %and3A_142 = arith.andi %eq3A_140, %ge3A_141 : i1
    %sub3A_143 = arith.constant 2 : i32
    %sub3A_144 = arith.subi %mul3A_110, %sub3A_143 : i32
    %jit3A_145 = arith.constant 2 : i32
    %eq3A_146 = arith.constant 0 : i32
    %eq3A_147 = arith.cmpi eq, %jit3A_145, %eq3A_146 : i32
    %jit3A_148 = arith.constant 1 : i32
    %select_n3A_149 = arith.select %eq3A_147, %jit3A_148, %jit3A_145 : i32
    %rem3A_150 = arith.remsi %sub3A_144, %select_n3A_149 : i32
    %ne3A_151 = arith.constant 0 : i32
    %ne3A_152 = arith.cmpi ne, %rem3A_150, %ne3A_151 : i32
    %lt3A_153 = arith.constant 0 : i32
    %lt3A_154 = arith.cmpi slt, %rem3A_150, %lt3A_153 : i32
    %lt3A_155 = arith.constant 0 : i32
    %lt3A_156 = arith.cmpi slt, %select_n3A_149, %lt3A_155 : i32
    %ne3A_157 = arith.xori %lt3A_154, %lt3A_156 : i1
    %and3A_158 = arith.andi %ne3A_157, %ne3A_152 : i1
    %add3A_159 = arith.addi %rem3A_150, %select_n3A_149 : i32
    %select_n3A_160 = arith.select %and3A_158, %add3A_159, %rem3A_150 : i32
    %eq3A_161 = arith.constant 0 : i32
    %eq3A_162 = arith.cmpi eq, %select_n3A_160, %eq3A_161 : i32
    %ge3A_163 = arith.constant 2 : i32
    %ge3A_164 = arith.cmpi sge, %mul3A_110, %ge3A_163 : i32
    %and3A_165 = arith.andi %eq3A_162, %ge3A_164 : i1
    %or3A = arith.ori %and3A_142, %and3A_165 : i1
    %convert_element_type3A_166 = arith.extui %or3A : i1 to i32
    %cond3A_167 = arith.constant 0 : i32
    %cond3A_168 = arith.cmpi ne, %convert_element_type3A_166, %cond3A_167 : i32
    scf.if %cond3A_168 {
      %mul3A_224 = arith.constant 1700 : i32
      %mul3A_225 = arith.muli %select_n3A_30, %mul3A_224 : i32
      %add3A_226 = arith.constant 0 : i32
      %add3A_227 = arith.addi %mul3A_225, %add3A_226 : i32
      %dma_wait3A = arith.constant 0 : i32
      %dma_wait3A_228 = arith.constant 0 : i32
      %dma_wait3A_229 = tpu.memref_slice %arg6[%select_n3A, %add3A_227, %dma_wait3A, %dma_wait3A_228] : memref<16x3400x8x128xf32, #tpu.memory_space<hbm>> -> memref<1x25x8x128xf32, #tpu.memory_space<hbm>>
      %dma_wait3A_230 = tpu.memref_squeeze %dma_wait3A_229 : memref<1x25x8x128xf32, #tpu.memory_space<hbm>> -> memref<25x8x128xf32, #tpu.memory_space<hbm>>
      %dma_wait3A_231 = arith.constant 0 : i32
      %dma_wait3A_232 = arith.constant 0 : i32
      %dma_wait3A_233 = tpu.memref_slice %arg6[%select_n3A, %add3A_227, %dma_wait3A_231, %dma_wait3A_232] : memref<16x3400x8x128xf32, #tpu.memory_space<hbm>> -> memref<1x25x8x128xf32, #tpu.memory_space<hbm>>
      %dma_wait3A_234 = tpu.memref_squeeze %dma_wait3A_233 : memref<1x25x8x128xf32, #tpu.memory_space<hbm>> -> memref<25x8x128xf32, #tpu.memory_space<hbm>>
      tpu.wait_dma2 semaphore(%arg18 : memref<!tpu.dma_semaphore, #tpu.memory_space<semaphore_mem>>) src(%arg10 : memref<25x8x128xf32, #tpu.memory_space<vmem>>) dst(%dma_wait3A_234 : memref<25x8x128xf32, #tpu.memory_space<hbm>>)
    } else {
    }
    %sub3A_169 = arith.constant 1 : i32
    %sub3A_170 = arith.subi %mul3A_110, %sub3A_169 : i32
    %jit3A_171 = arith.constant 2 : i32
    %eq3A_172 = arith.constant 0 : i32
    %eq3A_173 = arith.cmpi eq, %jit3A_171, %eq3A_172 : i32
    %jit3A_174 = arith.constant 1 : i32
    %select_n3A_175 = arith.select %eq3A_173, %jit3A_174, %jit3A_171 : i32
    %rem3A_176 = arith.remsi %sub3A_170, %select_n3A_175 : i32
    %ne3A_177 = arith.constant 0 : i32
    %ne3A_178 = arith.cmpi ne, %rem3A_176, %ne3A_177 : i32
    %lt3A_179 = arith.constant 0 : i32
    %lt3A_180 = arith.cmpi slt, %rem3A_176, %lt3A_179 : i32
    %lt3A_181 = arith.constant 0 : i32
    %lt3A_182 = arith.cmpi slt, %select_n3A_175, %lt3A_181 : i32
    %ne3A_183 = arith.xori %lt3A_180, %lt3A_182 : i1
    %and3A_184 = arith.andi %ne3A_183, %ne3A_178 : i1
    %add3A_185 = arith.addi %rem3A_176, %select_n3A_175 : i32
    %select_n3A_186 = arith.select %and3A_184, %add3A_185, %rem3A_176 : i32
    %eq3A_187 = arith.constant 1 : i32
    %eq3A_188 = arith.cmpi eq, %select_n3A_186, %eq3A_187 : i32
    %ge3A_189 = arith.constant 1 : i32
    %ge3A_190 = arith.cmpi sge, %mul3A_110, %ge3A_189 : i32
    %and3A_191 = arith.andi %eq3A_188, %ge3A_190 : i1
    %sub3A_192 = arith.constant 2 : i32
    %sub3A_193 = arith.subi %mul3A_110, %sub3A_192 : i32
    %jit3A_194 = arith.constant 2 : i32
    %eq3A_195 = arith.constant 0 : i32
    %eq3A_196 = arith.cmpi eq, %jit3A_194, %eq3A_195 : i32
    %jit3A_197 = arith.constant 1 : i32
    %select_n3A_198 = arith.select %eq3A_196, %jit3A_197, %jit3A_194 : i32
    %rem3A_199 = arith.remsi %sub3A_193, %select_n3A_198 : i32
    %ne3A_200 = arith.constant 0 : i32
    %ne3A_201 = arith.cmpi ne, %rem3A_199, %ne3A_200 : i32
    %lt3A_202 = arith.constant 0 : i32
    %lt3A_203 = arith.cmpi slt, %rem3A_199, %lt3A_202 : i32
    %lt3A_204 = arith.constant 0 : i32
    %lt3A_205 = arith.cmpi slt, %select_n3A_198, %lt3A_204 : i32
    %ne3A_206 = arith.xori %lt3A_203, %lt3A_205 : i1
    %and3A_207 = arith.andi %ne3A_206, %ne3A_201 : i1
    %add3A_208 = arith.addi %rem3A_199, %select_n3A_198 : i32
    %select_n3A_209 = arith.select %and3A_207, %add3A_208, %rem3A_199 : i32
    %eq3A_210 = arith.constant 1 : i32
    %eq3A_211 = arith.cmpi eq, %select_n3A_209, %eq3A_210 : i32
    %ge3A_212 = arith.constant 2 : i32
    %ge3A_213 = arith.cmpi sge, %mul3A_110, %ge3A_212 : i32
    %and3A_214 = arith.andi %eq3A_211, %ge3A_213 : i1
    %or3A_215 = arith.ori %and3A_191, %and3A_214 : i1
    %convert_element_type3A_216 = arith.extui %or3A_215 : i1 to i32
    %cond3A_217 = arith.constant 0 : i32
    %cond3A_218 = arith.cmpi ne, %convert_element_type3A_216, %cond3A_217 : i32
    scf.if %cond3A_218 {
      %mul3A_224 = arith.constant 1700 : i32
      %mul3A_225 = arith.muli %select_n3A_30, %mul3A_224 : i32
      %add3A_226 = arith.constant 0 : i32
      %add3A_227 = arith.addi %mul3A_225, %add3A_226 : i32
      %dma_wait3A = arith.constant 0 : i32
      %dma_wait3A_228 = arith.constant 0 : i32
      %dma_wait3A_229 = tpu.memref_slice %arg6[%select_n3A, %add3A_227, %dma_wait3A, %dma_wait3A_228] : memref<16x3400x8x128xf32, #tpu.memory_space<hbm>> -> memref<1x25x8x128xf32, #tpu.memory_space<hbm>>
      %dma_wait3A_230 = tpu.memref_squeeze %dma_wait3A_229 : memref<1x25x8x128xf32, #tpu.memory_space<hbm>> -> memref<25x8x128xf32, #tpu.memory_space<hbm>>
      %dma_wait3A_231 = arith.constant 0 : i32
      %dma_wait3A_232 = arith.constant 0 : i32
      %dma_wait3A_233 = tpu.memref_slice %arg6[%select_n3A, %add3A_227, %dma_wait3A_231, %dma_wait3A_232] : memref<16x3400x8x128xf32, #tpu.memory_space<hbm>> -> memref<1x25x8x128xf32, #tpu.memory_space<hbm>>
      %dma_wait3A_234 = tpu.memref_squeeze %dma_wait3A_233 : memref<1x25x8x128xf32, #tpu.memory_space<hbm>> -> memref<25x8x128xf32, #tpu.memory_space<hbm>>
      tpu.wait_dma2 semaphore(%arg19 : memref<!tpu.dma_semaphore, #tpu.memory_space<semaphore_mem>>) src(%arg11 : memref<25x8x128xf32, #tpu.memory_space<vmem>>) dst(%dma_wait3A_234 : memref<25x8x128xf32, #tpu.memory_space<hbm>>)
    } else {
    }
    %lt3A_219 = arith.constant 68 : i32
    %lt3A_220 = arith.cmpi slt, %mul3A_110, %lt3A_219 : i32
    %convert_element_type3A_221 = arith.extui %lt3A_220 : i1 to i32
    %cond3A_222 = arith.constant 0 : i32
    %cond3A_223 = arith.cmpi ne, %convert_element_type3A_221, %cond3A_222 : i32
    scf.if %cond3A_223 {
      %parallel_loop3A = arith.constant 0 : i32
      %parallel_loop3A_224 = arith.constant 1600 : i32
      %parallel_loop3A_225 = arith.constant 1 : i32
      scf.for %parallel_loop3A_245 = %parallel_loop3A to %parallel_loop3A_224 step %parallel_loop3A_225  : i32 {
        %parallel_loop3A_246 = arith.constant 64 : i32
        %parallel_loop3A_247 = arith.divsi %parallel_loop3A_245, %parallel_loop3A_246 : i32
        %parallel_loop3A_248 = arith.constant 0 : i32
        %parallel_loop3A_249 = arith.cmpi sgt, %parallel_loop3A_245, %parallel_loop3A_248 : i32
        %parallel_loop3A_250 = arith.extui %parallel_loop3A_249 : i1 to i32
        %parallel_loop3A_251 = arith.constant 0 : i32
        %parallel_loop3A_252 = arith.cmpi slt, %parallel_loop3A_245, %parallel_loop3A_251 : i32
        %parallel_loop3A_253 = arith.extui %parallel_loop3A_252 : i1 to i32
        %parallel_loop3A_254 = arith.subi %parallel_loop3A_250, %parallel_loop3A_253 : i32
        %parallel_loop3A_255 = arith.constant 0 : i32
        %parallel_loop3A_256 = arith.cmpi sgt, %parallel_loop3A_246, %parallel_loop3A_255 : i32
        %parallel_loop3A_257 = arith.extui %parallel_loop3A_256 : i1 to i32
        %parallel_loop3A_258 = arith.constant 0 : i32
        %parallel_loop3A_259 = arith.cmpi slt, %parallel_loop3A_246, %parallel_loop3A_258 : i32
        %parallel_loop3A_260 = arith.extui %parallel_loop3A_259 : i1 to i32
        %parallel_loop3A_261 = arith.subi %parallel_loop3A_257, %parallel_loop3A_260 : i32
        %parallel_loop3A_262 = arith.cmpi ne, %parallel_loop3A_254, %parallel_loop3A_261 : i32
        %parallel_loop3A_263 = arith.remsi %parallel_loop3A_245, %parallel_loop3A_246 : i32
        %parallel_loop3A_264 = arith.constant 0 : i32
        %parallel_loop3A_265 = arith.cmpi ne, %parallel_loop3A_263, %parallel_loop3A_264 : i32
        %parallel_loop3A_266 = arith.andi %parallel_loop3A_262, %parallel_loop3A_265 : i1
        %parallel_loop3A_267 = arith.constant 1 : i32
        %parallel_loop3A_268 = arith.subi %parallel_loop3A_247, %parallel_loop3A_267 : i32
        %parallel_loop3A_269 = arith.select %parallel_loop3A_266, %parallel_loop3A_268, %parallel_loop3A_247 : i32
        %parallel_loop3A_270 = arith.constant 64 : i32
        %parallel_loop3A_271 = arith.constant 0 : i32
        %parallel_loop3A_272 = arith.cmpi eq, %parallel_loop3A_270, %parallel_loop3A_271 : i32
        %parallel_loop3A_273 = arith.constant 1 : i32
        %parallel_loop3A_274 = arith.select %parallel_loop3A_272, %parallel_loop3A_273, %parallel_loop3A_270 : i32
        %parallel_loop3A_275 = arith.remsi %parallel_loop3A_245, %parallel_loop3A_274 : i32
        %parallel_loop3A_276 = arith.constant 0 : i32
        %parallel_loop3A_277 = arith.cmpi ne, %parallel_loop3A_275, %parallel_loop3A_276 : i32
        %parallel_loop3A_278 = arith.constant 0 : i32
        %parallel_loop3A_279 = arith.cmpi slt, %parallel_loop3A_275, %parallel_loop3A_278 : i32
        %parallel_loop3A_280 = arith.constant 0 : i32
        %parallel_loop3A_281 = arith.cmpi slt, %parallel_loop3A_274, %parallel_loop3A_280 : i32
        %parallel_loop3A_282 = arith.xori %parallel_loop3A_279, %parallel_loop3A_281 : i1
        %parallel_loop3A_283 = arith.andi %parallel_loop3A_282, %parallel_loop3A_277 : i1
        %parallel_loop3A_284 = arith.addi %parallel_loop3A_275, %parallel_loop3A_274 : i32
        %parallel_loop3A_285 = arith.select %parallel_loop3A_283, %parallel_loop3A_284, %parallel_loop3A_275 : i32
        %parallel_loop3A_286 = arith.constant 8 : i32
        %parallel_loop3A_287 = arith.divsi %parallel_loop3A_285, %parallel_loop3A_286 : i32
        %parallel_loop3A_288 = arith.constant 0 : i32
        %parallel_loop3A_289 = arith.cmpi sgt, %parallel_loop3A_285, %parallel_loop3A_288 : i32
        %parallel_loop3A_290 = arith.extui %parallel_loop3A_289 : i1 to i32
        %parallel_loop3A_291 = arith.constant 0 : i32
        %parallel_loop3A_292 = arith.cmpi slt, %parallel_loop3A_285, %parallel_loop3A_291 : i32
        %parallel_loop3A_293 = arith.extui %parallel_loop3A_292 : i1 to i32
        %parallel_loop3A_294 = arith.subi %parallel_loop3A_290, %parallel_loop3A_293 : i32
        %parallel_loop3A_295 = arith.constant 0 : i32
        %parallel_loop3A_296 = arith.cmpi sgt, %parallel_loop3A_286, %parallel_loop3A_295 : i32
        %parallel_loop3A_297 = arith.extui %parallel_loop3A_296 : i1 to i32
        %parallel_loop3A_298 = arith.constant 0 : i32
        %parallel_loop3A_299 = arith.cmpi slt, %parallel_loop3A_286, %parallel_loop3A_298 : i32
        %parallel_loop3A_300 = arith.extui %parallel_loop3A_299 : i1 to i32
        %parallel_loop3A_301 = arith.subi %parallel_loop3A_297, %parallel_loop3A_300 : i32
        %parallel_loop3A_302 = arith.cmpi ne, %parallel_loop3A_294, %parallel_loop3A_301 : i32
        %parallel_loop3A_303 = arith.remsi %parallel_loop3A_285, %parallel_loop3A_286 : i32
        %parallel_loop3A_304 = arith.constant 0 : i32
        %parallel_loop3A_305 = arith.cmpi ne, %parallel_loop3A_303, %parallel_loop3A_304 : i32
        %parallel_loop3A_306 = arith.andi %parallel_loop3A_302, %parallel_loop3A_305 : i1
        %parallel_loop3A_307 = arith.constant 1 : i32
        %parallel_loop3A_308 = arith.subi %parallel_loop3A_287, %parallel_loop3A_307 : i32
        %parallel_loop3A_309 = arith.select %parallel_loop3A_306, %parallel_loop3A_308, %parallel_loop3A_287 : i32
        %parallel_loop3A_310 = arith.constant 8 : i32
        %parallel_loop3A_311 = arith.constant 0 : i32
        %parallel_loop3A_312 = arith.cmpi eq, %parallel_loop3A_310, %parallel_loop3A_311 : i32
        %parallel_loop3A_313 = arith.constant 1 : i32
        %parallel_loop3A_314 = arith.select %parallel_loop3A_312, %parallel_loop3A_313, %parallel_loop3A_310 : i32
        %parallel_loop3A_315 = arith.remsi %parallel_loop3A_285, %parallel_loop3A_314 : i32
        %parallel_loop3A_316 = arith.constant 0 : i32
        %parallel_loop3A_317 = arith.cmpi ne, %parallel_loop3A_315, %parallel_loop3A_316 : i32
        %parallel_loop3A_318 = arith.constant 0 : i32
        %parallel_loop3A_319 = arith.cmpi slt, %parallel_loop3A_315, %parallel_loop3A_318 : i32
        %parallel_loop3A_320 = arith.constant 0 : i32
        %parallel_loop3A_321 = arith.cmpi slt, %parallel_loop3A_314, %parallel_loop3A_320 : i32
        %parallel_loop3A_322 = arith.xori %parallel_loop3A_319, %parallel_loop3A_321 : i1
        %parallel_loop3A_323 = arith.andi %parallel_loop3A_322, %parallel_loop3A_317 : i1
        %parallel_loop3A_324 = arith.addi %parallel_loop3A_315, %parallel_loop3A_314 : i32
        %parallel_loop3A_325 = arith.select %parallel_loop3A_323, %parallel_loop3A_324, %parallel_loop3A_315 : i32
        %parallel_loop3A_326 = arith.constant 16 : i32
        %parallel_loop3A_327 = arith.muli %parallel_loop3A_325, %parallel_loop3A_326 : i32
        %parallel_loop3A_328 = arith.index_cast %parallel_loop3A_269 : i32 to index
        %parallel_loop3A_329 = arith.index_cast %parallel_loop3A_309 : i32 to index
        %parallel_loop3A_330 = arith.index_cast %parallel_loop3A_327 : i32 to index
        %parallel_loop3A_331 = tpu.vector_load %arg10[%parallel_loop3A_328, %parallel_loop3A_329, %parallel_loop3A_330] {strides = array<i32>} : memref<25x8x128xf32, #tpu.memory_space<vmem>>, vector<16xf32>,
        tpu.vector_store %arg10[%parallel_loop3A_328, %parallel_loop3A_329, %parallel_loop3A_330], %broadcast_in_dim3A_111 {strides = array<i32>} : memref<25x8x128xf32, #tpu.memory_space<vmem>>, vector<16xf32>,
      } {sc.loop_unroll_factor = 8 : i64, sc.parallel_access}
      %while3A = arith.constant 0 : i32
      %while3A_226 = arith.constant 68 : i32
      %while3A_227 = arith.subi %while3A_226, %mul3A_110 : i32
      %while3A_228 = arith.addi %mul3A_110, %while3A_227 : i32
      %while3A_229 = arith.constant 1 : i32
      %while3A_230 = arith.divsi %while3A_227, %while3A_229 : i32
      %while3A_231 = arith.muli %while3A_230, %while3A_229 : i32
      %while3A_232 = arith.addi %mul3A_110, %while3A_231 : i32
      %while3A_233 = arith.constant 1 : i32
      scf.for %while3A_245 = %mul3A_110 to %while3A_232 step %while3A_233  : i32 {
        %mul3A_246 = arith.constant 1700 : i32
        %mul3A_247 = arith.muli %select_n3A_30, %mul3A_246 : i32
        %mul3A_248 = arith.constant 25 : i32
        %mul3A_249 = arith.muli %while3A_245, %mul3A_248 : i32
        %add3A_250 = arith.addi %mul3A_247, %mul3A_249 : i32
        %dma_start3A = arith.constant 0 : i32
        %dma_start3A_251 = arith.constant 0 : i32
        %dma_start3A_252 = tpu.memref_slice %arg6[%select_n3A, %add3A_250, %dma_start3A, %dma_start3A_251] : memref<16x3400x8x128xf32, #tpu.memory_space<hbm>> -> memref<1x25x8x128xf32, #tpu.memory_space<hbm>>
        %dma_start3A_253 = tpu.memref_squeeze %dma_start3A_252 : memref<1x25x8x128xf32, #tpu.memory_space<hbm>> -> memref<25x8x128xf32, #tpu.memory_space<hbm>>
        %dma_start3A_254 = arith.constant 0 : i32
        %dma_start3A_255 = arith.constant 0 : i32
        %dma_start3A_256 = tpu.memref_slice %arg6[%select_n3A, %add3A_250, %dma_start3A_254, %dma_start3A_255] : memref<16x3400x8x128xf32, #tpu.memory_space<hbm>> -> memref<1x25x8x128xf32, #tpu.memory_space<hbm>>
        %dma_start3A_257 = tpu.memref_squeeze %dma_start3A_256 : memref<1x25x8x128xf32, #tpu.memory_space<hbm>> -> memref<25x8x128xf32, #tpu.memory_space<hbm>>
        tpu.enqueue_dma source(%arg10 : memref<25x8x128xf32, #tpu.memory_space<vmem>>) target(%dma_start3A_257 : memref<25x8x128xf32, #tpu.memory_space<hbm>>) target_semaphore(%arg20 : memref<!tpu.dma_semaphore, #tpu.memory_space<semaphore_mem>>)
      }
      %while3A_234 = arith.constant 1 : i32
      scf.for %while3A_245 = %while3A_232 to %while3A_228 step %while3A_234  : i32 {
        %mul3A_246 = arith.constant 1700 : i32
        %mul3A_247 = arith.muli %select_n3A_30, %mul3A_246 : i32
        %mul3A_248 = arith.constant 25 : i32
        %mul3A_249 = arith.muli %while3A_245, %mul3A_248 : i32
        %add3A_250 = arith.addi %mul3A_247, %mul3A_249 : i32
        %dma_start3A = arith.constant 0 : i32
        %dma_start3A_251 = arith.constant 0 : i32
        %dma_start3A_252 = tpu.memref_slice %arg6[%select_n3A, %add3A_250, %dma_start3A, %dma_start3A_251] : memref<16x3400x8x128xf32, #tpu.memory_space<hbm>> -> memref<1x25x8x128xf32, #tpu.memory_space<hbm>>
        %dma_start3A_253 = tpu.memref_squeeze %dma_start3A_252 : memref<1x25x8x128xf32, #tpu.memory_space<hbm>> -> memref<25x8x128xf32, #tpu.memory_space<hbm>>
        %dma_start3A_254 = arith.constant 0 : i32
        %dma_start3A_255 = arith.constant 0 : i32
        %dma_start3A_256 = tpu.memref_slice %arg6[%select_n3A, %add3A_250, %dma_start3A_254, %dma_start3A_255] : memref<16x3400x8x128xf32, #tpu.memory_space<hbm>> -> memref<1x25x8x128xf32, #tpu.memory_space<hbm>>
        %dma_start3A_257 = tpu.memref_squeeze %dma_start3A_256 : memref<1x25x8x128xf32, #tpu.memory_space<hbm>> -> memref<25x8x128xf32, #tpu.memory_space<hbm>>
        tpu.enqueue_dma source(%arg10 : memref<25x8x128xf32, #tpu.memory_space<vmem>>) target(%dma_start3A_257 : memref<25x8x128xf32, #tpu.memory_space<hbm>>) target_semaphore(%arg20 : memref<!tpu.dma_semaphore, #tpu.memory_space<semaphore_mem>>)
      }
      %while3A_235 = arith.constant 0 : i32
      %while3A_236 = arith.constant 68 : i32
      %while3A_237 = arith.subi %while3A_236, %mul3A_110 : i32
      %while3A_238 = arith.addi %mul3A_110, %while3A_237 : i32
      %while3A_239 = arith.constant 1 : i32
      %while3A_240 = arith.divsi %while3A_237, %while3A_239 : i32
      %while3A_241 = arith.muli %while3A_240, %while3A_239 : i32
      %while3A_242 = arith.addi %mul3A_110, %while3A_241 : i32
      %while3A_243 = arith.constant 1 : i32
      scf.for %while3A_245 = %mul3A_110 to %while3A_242 step %while3A_243  : i32 {
        %mul3A_246 = arith.constant 1700 : i32
        %mul3A_247 = arith.muli %select_n3A_30, %mul3A_246 : i32
        %add3A_248 = arith.constant 0 : i32
        %add3A_249 = arith.addi %mul3A_247, %add3A_248 : i32
        %dma_wait3A = arith.constant 0 : i32
        %dma_wait3A_250 = arith.constant 0 : i32
        %dma_wait3A_251 = tpu.memref_slice %arg6[%select_n3A, %add3A_249, %dma_wait3A, %dma_wait3A_250] : memref<16x3400x8x128xf32, #tpu.memory_space<hbm>> -> memref<1x25x8x128xf32, #tpu.memory_space<hbm>>
        %dma_wait3A_252 = tpu.memref_squeeze %dma_wait3A_251 : memref<1x25x8x128xf32, #tpu.memory_space<hbm>> -> memref<25x8x128xf32, #tpu.memory_space<hbm>>
        %dma_wait3A_253 = arith.constant 0 : i32
        %dma_wait3A_254 = arith.constant 0 : i32
        %dma_wait3A_255 = tpu.memref_slice %arg6[%select_n3A, %add3A_249, %dma_wait3A_253, %dma_wait3A_254] : memref<16x3400x8x128xf32, #tpu.memory_space<hbm>> -> memref<1x25x8x128xf32, #tpu.memory_space<hbm>>
        %dma_wait3A_256 = tpu.memref_squeeze %dma_wait3A_255 : memref<1x25x8x128xf32, #tpu.memory_space<hbm>> -> memref<25x8x128xf32, #tpu.memory_space<hbm>>
        tpu.wait_dma2 semaphore(%arg20 : memref<!tpu.dma_semaphore, #tpu.memory_space<semaphore_mem>>) src(%arg10 : memref<25x8x128xf32, #tpu.memory_space<vmem>>) dst(%dma_wait3A_256 : memref<25x8x128xf32, #tpu.memory_space<hbm>>)
      }
      %while3A_244 = arith.constant 1 : i32
      scf.for %while3A_245 = %while3A_242 to %while3A_238 step %while3A_244  : i32 {
        %mul3A_246 = arith.constant 1700 : i32
        %mul3A_247 = arith.muli %select_n3A_30, %mul3A_246 : i32
        %add3A_248 = arith.constant 0 : i32
        %add3A_249 = arith.addi %mul3A_247, %add3A_248 : i32
        %dma_wait3A = arith.constant 0 : i32
        %dma_wait3A_250 = arith.constant 0 : i32
        %dma_wait3A_251 = tpu.memref_slice %arg6[%select_n3A, %add3A_249, %dma_wait3A, %dma_wait3A_250] : memref<16x3400x8x128xf32, #tpu.memory_space<hbm>> -> memref<1x25x8x128xf32, #tpu.memory_space<hbm>>
        %dma_wait3A_252 = tpu.memref_squeeze %dma_wait3A_251 : memref<1x25x8x128xf32, #tpu.memory_space<hbm>> -> memref<25x8x128xf32, #tpu.memory_space<hbm>>
        %dma_wait3A_253 = arith.constant 0 : i32
        %dma_wait3A_254 = arith.constant 0 : i32
        %dma_wait3A_255 = tpu.memref_slice %arg6[%select_n3A, %add3A_249, %dma_wait3A_253, %dma_wait3A_254] : memref<16x3400x8x128xf32, #tpu.memory_space<hbm>> -> memref<1x25x8x128xf32, #tpu.memory_space<hbm>>
        %dma_wait3A_256 = tpu.memref_squeeze %dma_wait3A_255 : memref<1x25x8x128xf32, #tpu.memory_space<hbm>> -> memref<25x8x128xf32, #tpu.memory_space<hbm>>
        tpu.wait_dma2 semaphore(%arg20 : memref<!tpu.dma_semaphore, #tpu.memory_space<semaphore_mem>>) src(%arg10 : memref<25x8x128xf32, #tpu.memory_space<vmem>>) dst(%dma_wait3A_256 : memref<25x8x128xf32, #tpu.memory_space<hbm>>)
      }
    } else {
    }
    return
  }
}

</mosaic_0001>

<sc_bundles>
// kernel: kernel.3.cloned.1.call-start
scs
__scs_entry_jumppad:
0x0: {  	(pc) =	sbr.rel $0x88, $3  }
0x1: {  	(tag) =	ssettag $0x0;
	lr =	simm.s32 $0x1  }
0x2: {  	[smem:$0x3F9D] =	sst lr;
	_ =	strace $0xD0000000  }
0x3: {  	_ = 	snop  }
0x4: {  	_ = 	snop  }
0x5: {  	_ = 	snop  }
0x6: {  	_ = 	snop  }
0x7: {  	_ = 	snop  }
__scs_overlays_trampoline_lowered:
0x8: {  	[smem:$0x3FAC] =	sst s0  }
0x9: {  	[smem:$0x3FAD] =	sst s1  }
0xa: {  	[smem:$0x3FAE] =	sst s2  }
0xb: {  	[smem:$0x3FAF] =	sst s3  }
0xc: {  	[smem:$0x3FB0] =	sst s4  }
0xd: {  	[smem:$0x3FB1] =	sst s5  }
0xe: {  	[smem:$0x3FB2] =	sst s6  }
0xf: {  	[smem:$0x3FB3] =	sst s7  }
0x10: {  	[smem:$0x3FB4] =	sst s8  }
0x11: {  	[smem:$0x3FB5] =	sst s9;
	s0 =	simm.s32 @!p0 $0x0  }
0x12: {  	s1 =	sld [smem:$0x3F9B];
	s0 =	simm.s32 @p0 $0x1  }
0x13: {  	[smem:$0x3FB6] =	sst s0;
	s0 =	simm.s32 @!p1 $0x0  }
0x14: {  	s2 =	sld [smem:$0x3F9A];
	s0 =	simm.s32 @p1 $0x1  }
0x15: {  	[smem:$0x3FB7] =	sst s0;
	s0 =	simm.s32 @!p2 $0x0  }
0x16: {  	s3 =	sld [smem:$0x3FDB];
	s0 =	simm.s32 @p2 $0x1  }
0x17: {  	s4 =	simm.s32 $0x1BF5;
	[smem:$0x3FB9] =	sst s0  }
0x18: {  	s0 =	sld [smem:$0x3F9C];
	_ =	swait.ge [sflag:s4], $0x0  }
0x19: {  	s7 =	sld [smem:$0x3F9D]  }
0x1a: {  	s8 =	sadd.s32 $0xFFFFE003, lr  }
0x1b: {  	s9 =	sadd.s32 $0xFFFFFEF7, lr;
	s5 =	simm.s32 $0xFFFFFFFF;
	p2 =	slt.u32 s8, $0xFFFFF086  }
0x1c: {  	p1 =	slt.u32 s9, $0xF7A;
	s5 =	simm.s32 @!p2 $0x0  }
0x1d: {  	s5 =	simm.s32 @p1 $0x1;
	p0 =	seq.s32 s7, s2  }
0x1e: {  	s7 =	smul.u32 @!p0 $0xF7A, s2;
	p2 =	seq.s32 @!p0 s5, $0x0  }
0x1f: {  	s9 =	smul.u32 $0xF7A, s1;
	s8 =	simm.s32 @!p0 $0x1BF5;
	p2 =	por !p2, p0  }
0x20: {  	[sflag:s8] =	ssyncset.s32 @!p0 $0xFFFFF086;
	s6 =	sadd.s32 @!p0 s3, s7;
	s7 =	simm.s32 @!p0 $0x108  }
0x21: {  	s3 =	sadd.s32 s3, s9;
	s6 =	sadd.s32 @!p0 $0x88, s6;
	s7 =	simm.s32 @p2 $0x1082  }
0x22: {  	[simem:s7], [sflag:s8] =	dma.local @!p0 [hbm:s6], $0xF7A  }
0x23: {  	s9 =	sor.u32 $0xD0000000, s2;
	s6 =	simm.s32 $0x108;
	_ =	swait.ge @!p0 [sflag:s8], $0x0  }
0x24: {  	s3 =	sadd.s32 $0x88, s3;
	s6 =	simm.s32 @!p1 $0x1082;
	[sflag:s4] =	ssyncset.s32 $0xFFFFF086  }
0x25: {  	[simem:s6], [sflag:s4] =	dma.local [hbm:s3], $0xF7A  }
0x26: {  	[smem:$0x3F9D] =	sst s1;
	(tag) =	ssettag s2;
	_ =	strace s9  }
0x27: {  	s1 =	sld [smem:$0x3FAD]  }
0x28: {  	s2 =	sld [smem:$0x3FAE]  }
0x29: {  	s4 =	sld [smem:$0x3FB0]  }
0x2a: {  	p0 =	seq.s32 s5, $0x0;
	s5 =	sld [smem:$0x3FB1]  }
0x2b: {  	s6 =	sld [smem:$0x3FB2]  }
0x2c: {  	s7 =	sld [smem:$0x3FB3]  }
0x2d: {  	s3 =	simm.s32 $0x108;
	s8 =	sld [smem:$0x3FB4]  }
0x2e: {  	s3 =	simm.s32 @!p0 $0x1082;
	s9 =	sld [smem:$0x3FB5]  }
0x2f: {  	lr =	sadd.s32 s0, s3;
	s0 =	sld [smem:$0x3FAC]  }
0x30: {  	s3 =	sld [smem:$0x3FAF]  }
0x31: {  	[smem:$0x3FB8] =	sst s10  }
0x32: {  	s10 =	sld [smem:$0x3FB6];
	_ =	sdelay $0x3  }
0x33: {  	p0 =	seq.s32 s10, $0x1;
	s10 =	sld [smem:$0x3FB8];
	_ =	sdelay $0x3  }
0x34: {  	[smem:$0x3FB8] =	sst s10  }
0x35: {  	s10 =	sld [smem:$0x3FB7];
	_ =	sdelay $0x3  }
0x36: {  	p1 =	seq.s32 s10, $0x1;
	s10 =	sld [smem:$0x3FB8];
	_ =	sdelay $0x3  }
0x37: {  	[smem:$0x3FB8] =	sst s10  }
0x38: {  	s10 =	sld [smem:$0x3FB9]  }
0x39: {  	_ = 	snop;
	(pc) =	sbr.ind lr, $3  }
0x3a: {  	_ = 	snop  }
0x3b: {  	_ = 	snop  }
0x3c: {  	p2 =	seq.s32 s10, $0x1;
	s10 =	sld [smem:$0x3FB8]  }
0x3d: {  	_ =	shalt  }
0x3e: {  	_ =	shalt  }
0x3f: {  	_ =	shalt  }
0x40: {  	_ =	shalt  }
0x41: {  	_ =	shalt  }
0x42: {  	_ =	shalt  }
0x43: {  	_ =	shalt  }
0x44: {  	_ =	shalt  }
0x45: {  	_ =	shalt  }
0x46: {  	_ =	shalt  }
0x47: {  	_ =	shalt  }
0x48: {  	_ =	shalt  }
0x49: {  	_ =	shalt  }
0x4a: {  	_ =	shalt  }
0x4b: {  	_ =	shalt  }
0x4c: {  	_ =	shalt  }
0x4d: {  	_ =	shalt  }
0x4e: {  	_ =	shalt  }
0x4f: {  	_ =	shalt  }
0x50: {  	_ =	shalt  }
0x51: {  	_ =	shalt  }
0x52: {  	_ =	shalt  }
0x53: {  	_ =	shalt  }
0x54: {  	_ =	shalt  }
0x55: {  	_ =	shalt  }
0x56: {  	_ =	shalt  }
0x57: {  	_ =	shalt  }
0x58: {  	_ =	shalt  }
0x59: {  	_ =	shalt  }
0x5a: {  	_ =	shalt  }
0x5b: {  	_ =	shalt  }
0x5c: {  	_ =	shalt  }
0x5d: {  	_ =	shalt  }
0x5e: {  	_ =	shalt  }
0x5f: {  	_ =	shalt  }
0x60: {  	_ =	shalt  }
0x61: {  	_ =	shalt  }
0x62: {  	_ =	shalt  }
0x63: {  	_ =	shalt  }
0x64: {  	_ =	shalt  }
0x65: {  	_ =	shalt  }
0x66: {  	_ =	shalt  }
0x67: {  	_ =	shalt  }
0x68: {  	_ =	shalt  }
0x69: {  	_ =	shalt  }
0x6a: {  	_ =	shalt  }
0x6b: {  	_ =	shalt  }
0x6c: {  	_ =	shalt  }
0x6d: {  	_ =	shalt  }
0x6e: {  	_ =	shalt  }
0x6f: {  	_ =	shalt  }
0x70: {  	_ =	shalt  }
0x71: {  	_ =	shalt  }
0x72: {  	_ =	shalt  }
0x73: {  	_ =	shalt  }
0x74: {  	_ =	shalt  }
0x75: {  	_ =	shalt  }
0x76: {  	_ =	shalt  }
0x77: {  	_ =	shalt  }
0x78: {  	_ =	shalt  }
0x79: {  	_ =	shalt  }
0x7a: {  	_ =	shalt  }
0x7b: {  	_ =	shalt  }
0x7c: {  	_ =	shalt  }
0x7d: {  	_ =	shalt  }
0x7e: {  	_ =	shalt  }
0x7f: {  	_ =	shalt  }
0x80: {  	_ =	shalt  }
0x81: {  	_ =	shalt  }
0x82: {  	_ =	shalt  }
0x83: {  	_ =	shalt  }
0x84: {  	_ =	shalt  }
0x85: {  	_ =	shalt  }
0x86: {  	_ =	shalt  }
0x87: {  	_ =	shalt  }
.Lfunc_end0:
.L_simem_size_0:
called_computation.1_lowered:
.L_overlay_start_0:
0x88: {  	s2 =	sld [smem:$0x3FD9]  }
0x89: {  	s3 =	sld [smem:$0x3FFE];
	_ =	sdelay $0x1  }
0x8a: {  	s1 =	srdreg.scid  }
0x8b: {  	s0 =	sand.u32 $0x1, s1  }
0x8c: {  	s14 =	sshll.u32 s0, $0xA;
	s2 =	sadd.s32 s3, s2  }
0x8d: {  	s2 =	sadd.s32 s2, s14  }
0x8e: {  	[smem:$0x3FC4] =	sst s2  }
0x8f: {  	_ = 	snop  }
0x90: {  	s2 =	sld [smem:$0x3FD0];
	_ =	sdelay $0x1  }
0x91: {  	s15 =	sld [smem:$0x3FC7]  }
0x92: {  	s5 =	simm.s32 $0xA;
	s6 =	simm.s32 $0x10;
	s4 =	sld [smem:$0x3FC6]  }
0x93: {  	[smem:s6], [sflag:s5] =	dma.local [hbm:s2], $0x1  }
0x94: {  	_ =	swait.eq [sflag:s5], $0x1  }
0x95: {  	[sflag:s5] =	ssyncset.done $0x0  }
0x96: {  	s16 =	sld [smem:$0x10];
	[sflag:s5] =	ssyncadd.s32 $0xFFFFFFFF  }
0x97: {  	s17 =	sld [smem:$0x11];
	(tm) =	ssettm $0x1  }
0x98: {  	s18 =	sld [smem:$0x3FFB];
	_ =	sdelay $0x3  }
0x99: {  	_ =	strace s18  }
0x9a: {  	s6 =	sld [smem:$0x3FFC];
	_ =	sdelay $0x3  }
0x9b: {  	_ =	strace s6  }
0x9c: {  	s6 =	sld [smem:$0x3FFD];
	_ =	sdelay $0x3  }
0x9d: {  	_ =	strace s6  }
0x9e: {  	_ =	strace $0x8FFFFFFF  }
0x9f: {  	s19 =	sld [smem:$0x3FDB];
	_ =	sdelay $0x1  }
0xa0: {  	s7 =	simm.s32 $_scs_section_size  }
0xa1: {  	s8 =	simm.s32 $_size__tile_overlayer_lowered;
	s9 =	simm.s32 $_tile_overlayer_lowered  }
0xa2: {  	s22 =	simm.s32 $0x1BFF;
	s21 =	sshll.u32 s9, $0x1;
	s6 =	sadd.s32 s7, s19  }
0xa3: {  	s10 =	simm.s32 $0x0;
	s20 =	sshll.u32 s8, $0x1;
	s8 =	sadd.s32 s21, s6  }
0xa4: {  	[timem:s10], [sflag:s22] =	dma.local [hbm:s8], s20  }
0xa5: {  	_ =	swait.ge [sflag:s22], s20  }
0xa6: {  	s7 =	ssub.s32 $0x0, s20;
	[sflag:s22] =	ssyncset.done $0x0  }
0xa7: {  	[sflag:s22] =	ssyncadd.s32 s7;
	_ =	sdelay $0x1  }
0xa8: {  	s23 =	simm.s32 $0x1B8B  }
0xa9: {  	_ =	swait.ge [sflag:s23], $0x1  }
0xaa: {  	[sflag:s23] =	ssyncset.done $0x0  }
0xab: {  	s25 =	simm.s32 $0x1B8E;
	s24 =	sld [smem:$0x3FFE];
	[sflag:s23] =	ssyncadd.s32 $0xFFFFFFFF  }
0xac: {  	s26 =	simm.s32 $execute0_lowered;
	[smem:$0x3FD2] =	sst s25  }
0xad: {  	s8 =	sshll.u32 s26, $0x1;
	_ =	strace $0x80000049;
	[dreg:$0x1] =	wrdreg $0xFFFFFFFF  }
0xae: {  	s28 =	simm.s32 $_size_execute0_lowered;
	s6 =	sadd.s32 s6, s8;
	[dreg:$0x0] =	wrdreg $0x0  }
0xaf: {  	s8 =	sshll.u32 s28, $0x1;
	[dreg:$0x2] =	wrdreg s6  }
0xb0: {  	[dreg:$0x3] =	wrdreg s8  }
0xb1: {  	[dreg:$0x4] =	wrdreg $0xC0  }
0xb2: {  	_ =	task [dreg:s10], $0x5FFFF  }
0xb3: {  	[dreg:$0x1] =	wrdreg $0xFFFFFFFF  }
0xb4: {  	[dreg:$0x0] =	wrdreg $0x60  }
0xb5: {  	[dreg:$0x2] =	wrdreg s16  }
0xb6: {  	[dreg:$0x3] =	wrdreg s15  }
0xb7: {  	[dreg:$0x4] =	wrdreg s17  }
0xb8: {  	[dreg:$0x5] =	wrdreg s4  }
0xb9: {  	[dreg:$0x6] =	wrdreg s24  }
0xba: {  	[dreg:$0x7] =	wrdreg $0x9  }
0xbb: {  	_ =	task.clear_ibuf [dreg:s10], $0x8FFFF;
	_ =	strace $0x90000049  }
0xbc: {  	s29 =	simm.s32 $0x9;
	_ =	strace $0x8000004B  }
0xbd: {  	_ =	swait.ge [sflag:s29], $0x1  }
0xbe: {  	[sflag:s29] =	ssyncadd.s32 $0xFFFFFFFF  }
0xbf: {  	_ =	strace $0x9000004B  }
0xc0: {  	_ =	sfence  }
0xc1: {  	s30 =	sld [smem:$0x0];
	_ =	sdelay $0x2  }
0xc2: {  	s31 =	sshll.u32 s1, $0xD;
	s1 =	sshrl.u32 s1, $0x2  }
0xc3: {  	s3 =	sand.u32 $0x4000, s31;
	s1 =	sadd.s32 s1, s30  }
0xc4: {  	s0 =	sor.u32 s3, s0;
	s1 =	sshll.u32 s1, $0x11  }
0xc5: {  	s0 =	sor.u32 s1, s0  }
0xc6: {  	s0 =	sadd.s32 $0x8F2B, s0  }
0xc7: {  	[sflag:s0] =	ssyncadd.remote.s32 $0x1  }
0xc8: {  	_ =	sfence.sel $0xFFFF  }
0xc9: {  	[dreg:$0x0] =	wrdreg $0xFFFFFFFF;
	(pc) =	sbr.abs _section_cstart, $3  }
0xca: {  	[dreg:$0x1] =	wrdreg $0xFFFFFFFF  }
0xcb: {  	_ =	task.clear_ibuf [dreg:s10], $0x2FFFF;
	_ =	strace $0x9FFFFFFF  }
0xcc: {  	(tm) =	ssettm $0x7FFFFFFF  }
0xcd: {  	_ =	shalt  }
tec
execute0_lowered:
.L_overlay_start_1:
0x0: {  	(tag) =	ssettag $0x1  }
0x1: {  	s1 =	rddreg [dreg:$0x1]  }
0x2: {  	s2 =	rddreg [dreg:$0x2]  }
0x3: {  	s4 =	rddreg [dreg:$0x3]  }
0x4: {  	s7 =	rddreg [dreg:$0x4]  }
0x5: {  	s0 =	rddreg [dreg:$0x5];
	s6 =	srdreg.scid  }
0x6: {  	s3 =	stileid.u32;
	s5 =	simm.s32 $0x0;
	s14 =	simm.s32 $0x1A400  }
0x7: {  	s15 =	simm.s32 $0x1AB80;
	s16 =	simm.s32 $0xC800;
	s17 =	simm.s32 $0x5  }
0x8: {  	s18 =	simm.s32 $0x0;
	s8 =	sand.u32 $0x1, s6;
	s26 =	sshll.u32 s3, $0x1  }
0x9: {  	[smem:$0x7FF] =	sst s5;
	s6 =	sadd.s32 $0xC00, s7;
	s12 =	smul.u32 $0x352000, s3  }
0xa: {  	s9 =	sor.u32 s8, s26;
	s11 =	ssub.s32 $0x2, s8;
	p1 =	seq.s32 s8, $0x1  }
0xb: {  	s10 =	smul.u32 $0xE0, s9;
	p0 =	seq.s32 s9, $0x0;
	s29 =	sshrl.u32 s11, $0x1  }
0xc: {  	_ =	strace $0x8000004A;
	p0 =	por !p0, !p1;
	s30 =	ssub.s32 s11, s29  }
0xd: {  	s28 =	sadd.s32 s10, s7;
	p0 =	por !p0, !p0;
	s10 =	simm.s32 $0xFFFFFFFF  }
0xe: {  	s11 =	simm.s32 $0x1;
	s7 =	simm.s32 $0x6A4;
	s10 =	simm.s32 @!p0 $0x0  }
0xf: {  	s9 =	smax.u32 s30, $0x1;
	s11 =	simm.s32 @!p0 $0x0;
	s10 =	smul.u32 $0x352000, s10  }
0x10: {  	s7 =	simm.s32 @!p1 $0x0;
	s8 =	sadd.s32 $0x6A4C00, s28;
	s13 =	ssub.s32 s3, s11  }
0x11: {  	v0 =	vlaneseq.u32;
	s31 =	sshll.u32 s7, $0xA;
	s11 =	simm.s32 $0x1AB00;
	v1 =	vmov s13;
	s10 =	sadd.s32 s10, s12  }
0x12: {  	v2 =	vimm.f32 $0.0e+00;
	s13 =	simm.s32 $0x19000;
	s12 =	simm.s32 $0x6;
	vm0 =	veq.s32 v1, v0;
	v1 =	vimm.s32 $0x0;
	s10 =	sadd.s32 s31, s10  }
.LBB2_1:
0x13: {  	[tilespmem:s11], [sflag:$0x6] =	stream.linear.gather [hbm4b:s4+s5], $0x80, $0x38;
	[tilespmem:$0x1B280] =	vst v63  }
0x14: {  	_ =	swait.ge [sflag:s12], $0x80  }
0x15: {  	[sflag:s12] =	ssyncset.done $0x0  }
0x16: {  	[sflag:s12] =	ssyncadd.s32 $0xFFFFFF80  }
0x17: {  	[tilespmem:s13], [sflag:$0x6] =	stream.linear.gather [hbm4b:s2+s5], $0x1400, $0x38;
	[tilespmem:$0x1B280] =	vst v63  }
0x18: {  	_ =	swait.ge [sflag:s12], $0x1400  }
0x19: {  	[sflag:s12] =	ssyncset.done $0x0  }
0x1a: {  	[sflag:s12] =	ssyncadd.s32 $0xFFFFEC00  }
0x1b: {  	v3 =	vld [tilespmem:$0x1AB00];
	_ =	sdelay $0x4  }
0x1c: {  	v4 =	vnsel vm0, $0x0, v3  }
0x1d: {  	(xrf0) =	vadd.scan.msk.s32 $0xffff, v4  }
0x1e: {  	(xrf0) =	vadd.scan.msk.s32 $0xffff, v3;
	_ =	sdelay $0x4  }
0x1f: {  	v4, _, _ =	vpop (xrf0)  }
0x20: {  	v5, _, _ =	vpop (xrf0)  }
0x21: {  	v3 =	vsub.s32 v5, v3  }
0x22: {  	v3 =	vnsel vm0, $0x0, v3  }
0x23: {  	(xrf0) =	vadd.scan.msk.s32 $0xffff, v3;
	_ =	sdelay $0x5  }
0x24: {  	v3, _, _ =	vpop (xrf0)  }
0x25: {  	(v2sf) =	vpush v3, $0xF;
	_ =	sdelay $0xe  }
0x26: {  	s19 =	spop (v2sf)  }
0x27: {  	s19 =	sadd.s32 s7, s19  }
0x28: {  	s19 =	sand.u32 $0xFFFFFFF8, s19  }
0x29: {  	p0 =	sgt.s32 s19, $0x0  }
0x2a: {  	s19 =	simm.s32 @!p0 $0x0  }
0x2b: {  	s19 =	smin.u32 s19, $0x8780  }
0x2c: {  	s19 =	sshrl.u32 s19, $0x3  }
0x2d: {  	s19 =	sadd.s32 s1, s19  }
0x2e: {  	v3 =	vbroadcast v4, $0xF;
	[tilespmem:s14], [sflag:$0x6] =	stream.linear.gather [hbm4b:s19+s5], $0x6B0, $0x38;
	[tilespmem:$0x1B280] =	vst v63  }
0x2f: {  	v4 =	vadd.s32 s7, v0;
	_ =	swait.ge [sflag:s12], $0x6B0  }
0x30: {  	s21 =	simm.s32 $0x0;
	vm1 =	vlt.s32 v4, v3;
	[sflag:s12] =	ssyncset.done $0x0  }
0x31: {  	s20 =	smov.u32 s7;
	v4 =	vsel vm1, $0x1, v1;
	s19 =	simm.s32 $0x40;
	[sflag:s12] =	ssyncadd.s32 $0xFFFFF950  }
.LBB2_2:
0x32: {  	p0 =	sne.s32 s19, $0x1A80  }
0x33: {  	[tilespmem:s21+$0x1AB80] =	vst v4;
	s20 =	sadd.s32 $0x10, s20;
	s21 =	smov.u32 s19;
	s19 =	sadd.s32 $0x40, s19  }
.Ltmp0:
0x34: {  	(pc) =	sbr.rel @p0 .LBB2_2-.Ltmp0, $4  }
0x35: {  	_ = 	snop  }
0x36: {  	v4 =	vadd.s32 s20, v0  }
0x37: {  	vm1 =	vlt.s32 v4, v3  }
0x38: {  	s21 =	sshra.s32 s21, $0x2;
	v4 =	vsel vm1, $0x1, v1  }
0x39: {  	[tilespmem:s21+$0x1AB80] =	vst v4;
	s19 =	simm.s32 $0x0  }
0x3a: {  	[hbm4b:s8+s19] =	stream.linear.scatter [tilespmem:s15], [sflag:$0x6], $0x700, $0x38;
	[tilespmem:$0x1B280] =	vst v63  }
0x3b: {  	s20 =	sand.u32 $0x1F000, s19;
	_ =	swait.ge [sflag:s12], $0x700  }
0x3c: {  	s31 =	sand.u32 $0x380, s19;
	s20 =	sshrl.u32 s20, $0x2;
	[sflag:s12] =	ssyncset.done $0x0  }
0x3d: {  	s20 =	sor.u32 s31, s20;
	[sflag:s12] =	ssyncadd.s32 $0xFFFFF900  }
0x3e: {  	[tilespmem:s20+$0xC870] =	vst v2  }
0x3f: {  	[tilespmem:s20+$0xC800] =	vst v2  }
0x40: {  	[tilespmem:s20+$0xC810] =	vst v2  }
0x41: {  	[tilespmem:s20+$0xC820] =	vst v2  }
0x42: {  	s21 =	simm.s32 $0x0;
	s22 =	simm.s32 $0x200;
	[tilespmem:s20+$0xC830] =	vst v2  }
.LBB2_4:
0x43: {  	s23 =	sand.u32 $0x1F000, s22;
	s21 =	sadd.s32 $0x8, s21;
	[tilespmem:s20+$0xC840] =	vst v2;
	s19 =	sadd.s32 $0x80, s19  }
0x44: {  	s24 =	sand.u32 $0x380, s19;
	s23 =	sshrl.u32 s23, $0x2;
	p0 =	slt.u32 s21, $0x638;
	[tilespmem:s20+$0xC850] =	vst v2  }
0x45: {  	[tilespmem:s20+$0xC860] =	vst v2;
	s20 =	sor.u32 s24, s23  }
.Ltmp1:
0x46: {  	[tilespmem:s20+$0xC870] =	vst v2;
	(pc) =	sbr.rel @p0 .LBB2_4-.Ltmp1, $4  }
0x47: {  	[tilespmem:s20+$0xC800] =	vst v2  }
0x48: {  	[tilespmem:s20+$0xC810] =	vst v2  }
0x49: {  	[tilespmem:s20+$0xC820] =	vst v2  }
0x4a: {  	s22 =	sadd.s32 $0x200, s22;
	[tilespmem:s20+$0xC830] =	vst v2  }
0x4b: {  	[tilespmem:s20+$0xC840] =	vst v2;
	s19 =	sadd.s32 $0x0, s10  }
0x4c: {  	[tilespmem:s20+$0xC850] =	vst v2;
	s21 =	sshrl.u32 s19, $0x3  }
0x4d: {  	[tilespmem:s20+$0xC860] =	vst v2;
	s19 =	simm.s32 $0x6400;
	s20 =	sadd.s32 s6, s21  }
.LBB2_6:
0x4e: {  	[hbm4b:s20+s5] =	stream.linear.scatter [tilespmem:s16], [sflag:$0x5], $0x6400, $0x38;
	[tilespmem:$0x1B280] =	vst v63  }
0x4f: {  	s20 =	smov.u32 s19;
	p0 =	sne.s32 s19, $0x1A2C00  }
.Ltmp2:
0x50: {  	s19 =	sadd.s32 $0x6400, s19;
	(pc) =	sbr.rel @p0 .LBB2_6-.Ltmp2, $4  }
0x51: {  	_ = 	snop  }
0x52: {  	s20 =	sadd.s32 s20, s10  }
0x53: {  	s20 =	sshrl.u32 s20, $0x3  }
0x54: {  	s20 =	sadd.s32 s6, s20  }
0x55: {  	[hbm4b:s20+s5] =	stream.linear.scatter [tilespmem:s16], [sflag:$0x5], $0x6400, $0x38;
	[tilespmem:$0x1B280] =	vst v63  }
0x56: {  	_ =	swait.ge [sflag:s17], $0x6400  }
0x57: {  	s19 =	simm.s32 $0x43;
	[sflag:s17] =	ssyncset.done $0x0  }
.LBB2_8:
0x58: {  	p0 =	sne.s32 s19, $0x1;
	s19 =	sadd.s32 $0xFFFFFFFF, s19;
	[sflag:s17] =	ssyncadd.s32 $0xFFFF9C00  }
.Ltmp3:
0x59: {  	(pc) =	sbr.rel @p0 .LBB2_8-.Ltmp3, $3  }
0x5a: {  	_ =	sdelay $0x1  }
0x5b: {  	_ =	swait.ge [sflag:s17], $0x6400  }
0x5c: {  	[sflag:s17] =	ssyncset.done $0x0  }
0x5d: {  	s18 =	sadd.s32 $0x1, s18  }
0x5e: {  	p0 =	sne.s32 s18, s9  }
.Ltmp4:
0x5f: {  	_ = 	snop;
	(pc) =	sbr.rel @p0 .LBB2_1-.Ltmp4, $2  }
0x60: {  	_ =	sdelay $0x2  }
0x61: {  	[sflag:s17] =	ssyncadd.s32 $0xFFFF9C00  }
0x62: {  	_ =	sfence.sel $0x180000  }
0x63: {  	[bflag:$0x0] =	sbarrier.arrive $0xFFFF  }
0x64: {  	p0 =	sne.s32 s3, $0x0;
	_ =	strace $0x9000004A  }
0x65: {  	s0 =	sadd.s32 @!p0 $0x100000, s0;
	[bflag:$0x2] =	sbarrier.arrive $0xFFFF  }
0x66: {  	[sflag:s0] =	ssyncadd.tile.s32 @!p0 $0x1;
	_ =	shalt  }
.Lfunc_end2:
_tile_overlayer_lowered:
.L_overlay_start_2:
0x67: {  	(tag) =	ssettag $0x2  }
0x68: {  	s0 =	rddreg [dreg:$0x0];
	s2 =	stileid.u32  }
0x69: {  	s1 =	rddreg [dreg:$0x1];
	p0 =	sne.s32 s2, $0x0  }
0x6a: {  	s3 =	rddreg [dreg:$0x2];
	[bflag:$0x3] =	sbarrier.arrive $0xFFFF;
	s2 =	simm.s32 @!p0 $0x1C06  }
0x6b: {  	[timem:s3], [sflag:s2] =	dma.local @!p0 [hbm:s0], s1  }
0x6c: {  	s0 =	simm.s32 @!p0 $0x6  }
0x6d: {  	_ =	swait.ge @!p0 [sflag:s0], s1  }
0x6e: {  	s1 =	ssub.s32 @!p0 $0x0, s1;
	[sflag:s0] =	ssyncset.done @!p0 $0x0  }
0x6f: {  	[sflag:s0] =	ssyncadd.s32 @!p0 s1  }
0x70: {  	[bflag:$0x3] =	sbarrier.arrive $0xFFFF  }
0x71: {  	_ =	shalt  }

// kernel: sparse-core-data-format-call.cloned.1.call-start
scs
called_computation_lowered:
.L_overlay_start_0:
0x0: {  	s2 =	sld [smem:$0x3FD9]  }
0x1: {  	s3 =	sld [smem:$0x3FFE];
	_ =	sdelay $0x1  }
0x2: {  	s1 =	srdreg.scid  }
0x3: {  	s0 =	sand.u32 $0x1, s1  }
0x4: {  	s16 =	sshll.u32 s0, $0xA;
	s2 =	sadd.s32 s3, s2  }
0x5: {  	s2 =	sadd.s32 s2, s16  }
0x6: {  	[smem:$0x3FC4] =	sst s2  }
0x7: {  	_ = 	snop  }
0x8: {  	s2 =	sld [smem:$0x3FD0];
	_ =	sdelay $0x2  }
0x9: {  	s4 =	simm.s32 $0xA;
	s5 =	simm.s32 $0x10;
	s17 =	sld [smem:$0x3FC9]  }
0xa: {  	[smem:s5], [sflag:s4] =	dma.local [hbm:s2], $0x1  }
0xb: {  	_ =	swait.eq [sflag:s4], $0x1  }
0xc: {  	[sflag:s4] =	ssyncset.done $0x0  }
0xd: {  	[sflag:s4] =	ssyncadd.s32 $0xFFFFFFFF  }
0xe: {  	s18 =	sld [smem:$0x10];
	(tm) =	ssettm $0x1  }
0xf: {  	s19 =	sld [smem:$0x3FFB];
	_ =	sdelay $0x3  }
0x10: {  	_ =	strace s19  }
0x11: {  	s4 =	sld [smem:$0x3FFC];
	_ =	sdelay $0x3  }
0x12: {  	_ =	strace s4  }
0x13: {  	s4 =	sld [smem:$0x3FFD];
	_ =	sdelay $0x3  }
0x14: {  	_ =	strace s4  }
0x15: {  	_ =	strace $0x8FFFFFFF  }
0x16: {  	s20 =	sld [smem:$0x3FDB];
	_ =	sdelay $0x1  }
0x17: {  	s21 =	simm.s32 $_scs_section_size  }
0x18: {  	s6 =	simm.s32 $_size__tile_overlayer_lowered;
	s7 =	simm.s32 $_tile_overlayer_lowered  }
0x19: {  	s24 =	simm.s32 $0x1BFF;
	s23 =	sshll.u32 s7, $0x1;
	s4 =	sadd.s32 s21, s20  }
0x1a: {  	s8 =	simm.s32 $0x0;
	s22 =	sshll.u32 s6, $0x1;
	s6 =	sadd.s32 s23, s4  }
0x1b: {  	[timem:s8], [sflag:s24] =	dma.local [hbm:s6], s22  }
0x1c: {  	_ =	swait.ge [sflag:s24], s22  }
0x1d: {  	s5 =	ssub.s32 $0x0, s22;
	[sflag:s24] =	ssyncset.done $0x0  }
0x1e: {  	[sflag:s24] =	ssyncadd.s32 s5;
	_ =	sdelay $0x1  }
0x1f: {  	s25 =	simm.s32 $0x1B8B  }
0x20: {  	_ =	swait.ge [sflag:s25], $0x1  }
0x21: {  	[sflag:s25] =	ssyncset.done $0x0  }
0x22: {  	s26 =	simm.s32 $0x1B8E;
	[sflag:s25] =	ssyncadd.s32 $0xFFFFFFFF  }
0x23: {  	s27 =	simm.s32 $execute0_lowered;
	[smem:$0x3FD2] =	sst s26  }
0x24: {  	s5 =	sshll.u32 s27, $0x1;
	_ =	strace $0x80000046;
	[dreg:$0x1] =	wrdreg $0xFFFFFFFF  }
0x25: {  	s28 =	simm.s32 $_size_execute0_lowered;
	s4 =	sadd.s32 s4, s5;
	[dreg:$0x0] =	wrdreg $0x0  }
0x26: {  	s5 =	sshll.u32 s28, $0x1;
	[dreg:$0x2] =	wrdreg s4  }
0x27: {  	[dreg:$0x3] =	wrdreg s5  }
0x28: {  	[dreg:$0x4] =	wrdreg $0xC0  }
0x29: {  	_ =	task [dreg:s8], $0x5FFFF  }
0x2a: {  	[dreg:$0x1] =	wrdreg $0xFFFFFFFF  }
0x2b: {  	[dreg:$0x0] =	wrdreg $0x60  }
0x2c: {  	[dreg:$0x2] =	wrdreg s17  }
0x2d: {  	[dreg:$0x3] =	wrdreg s18  }
0x2e: {  	[dreg:$0x4] =	wrdreg $0x9  }
0x2f: {  	_ =	task.clear_ibuf [dreg:s8], $0x5FFFF;
	_ =	strace $0x90000046  }
0x30: {  	s29 =	simm.s32 $0x9;
	_ =	strace $0x80000048  }
0x31: {  	_ =	swait.ge [sflag:s29], $0x1  }
0x32: {  	[sflag:s29] =	ssyncadd.s32 $0xFFFFFFFF  }
0x33: {  	_ =	strace $0x90000048  }
0x34: {  	_ =	sfence  }
0x35: {  	s30 =	sld [smem:$0x0];
	_ =	sdelay $0x2  }
0x36: {  	s31 =	sshll.u32 s1, $0xD;
	s1 =	sshrl.u32 s1, $0x2  }
0x37: {  	s3 =	sand.u32 $0x4000, s31;
	s1 =	sadd.s32 s1, s30  }
0x38: {  	s0 =	sor.u32 s3, s0;
	s1 =	sshll.u32 s1, $0x11  }
0x39: {  	s0 =	sor.u32 s1, s0  }
0x3a: {  	s0 =	sadd.s32 $0x8F2B, s0  }
0x3b: {  	[sflag:s0] =	ssyncadd.remote.s32 $0x1  }
0x3c: {  	_ =	sfence.sel $0xFFFF  }
0x3d: {  	[dreg:$0x0] =	wrdreg $0xFFFFFFFF;
	(pc) =	sbr.abs _section_cstart, $3  }
0x3e: {  	[dreg:$0x1] =	wrdreg $0xFFFFFFFF  }
0x3f: {  	_ =	task.clear_ibuf [dreg:s8], $0x2FFFF;
	_ =	strace $0x9FFFFFFF  }
0x40: {  	(tm) =	ssettm $0x7FFFFFFF  }
0x41: {  	_ =	shalt  }
tec
execute0_lowered:
.L_overlay_start_1:
0x0: {  	(tag) =	ssettag $0x1  }
0x1: {  	s0 =	srdreg.scid  }
0x2: {  	s1 =	sshll.u32 s0, $0x4  }
0x3: {  	s2 =	rddreg [dreg:$0x0];
	s0 =	stileid.u32;
	s1 =	sand.u32 $0x10, s1  }
0x4: {  	s4 =	rddreg [dreg:$0x1];
	s1 =	sor.u32 s0, s1  }
0x5: {  	s7 =	simm.s32 $0x1;
	s8 =	simm.s32 $0x2;
	s3 =	sshll.u32 s1, $0x1  }
0x6: {  	s9 =	simm.s32 $0x0;
	s12 =	simm.s32 $0x0;
	s6 =	ssub.s32 $0x11C6, s3  }
.Ltmp0:
0x7: {  	s11 =	simm.s32 $0x0;
	s5 =	sand.u32 $0x3E, s6;
	(pc) =	sbr.rel .LBB1_1-.Ltmp0, $4  }
0x8: {  	s1 =	rddreg [dreg:$0x2];
	_ =	strace $0x80000047;
	p0 =	sne.s32 s5, $0x0  }
0x9: {  	s6 =	sshrl.u32 s6, $0x6;
	s5 =	simm.s32 $0x1;
	s7 =	simm.s32 @!p0 $0x0  }
0xa: {  	s10 =	smov.u32 s3;
	[sflag:s5] =	ssyncpa.u1 $0x0;
	s6 =	sadd.s32 s7, s6  }
0xb: {  	[sflag:s8] =	ssyncpa.u1 $0x0;
	s8 =	simm.s32 $0x0;
	s7 =	sadd.s32 $0x1, s6  }
.LBB1_9:
0xc: {  	s14 =	sadd.s32 $0x40, s10  }
0xd: {  	p1 =	sgt.s32 s14, $0x11C5  }
0xe: {  	s14 =	smov.u32 @p1 s3;
	p1 =	sne.s32 s11, s7  }
.Ltmp1:
0xf: {  	p0 =	slt.u32 s11, $0x2;
	(pc) =	sbr.rel @!p1 .LBB1_10-.Ltmp1, $4  }
0x10: {  	s13 =	simm.s32 @!p0 $0x2  }
0x11: {  	s15 =	sadd.s32 $0x1, s11;
	_ =	swait.ge @!p0 [sflag:s13], $0x4000  }
0x12: {  	s12 =	smov.u32 s10;
	s9 =	sadd.s32 $0x4000, s9;
	[sflag:s13] =	ssyncset.done @!p0 $0x0  }
0x13: {  	s11 =	smov.u32 s15;
	s10 =	smov.u32 s14;
	[sflag:s13] =	ssyncadd.s32 @!p0 $0xFFFFC000  }
.LBB1_1:
0x14: {  	p0 =	sge.u32 s11, s6  }
0x15: {  	s13 =	sxor.u32 @!p0 $0xFFFFFFFF, s11  }
0x16: {  	s31 =	sadd.s32 $0xFFFFFFFF, s11;
	s14 =	sshll.u32 @!p0 s10, $0xA;
	s13 =	sshll.u32 @!p0 s13, $0xE  }
0x17: {  	s15 =	simm.s32 @!p0 $0x0;
	s14 =	sadd.s32 @!p0 s2, s14;
	s13 =	sand.u32 @!p0 $0x4000, s13  }
0x18: {  	[tilespmem:s13], [sflag:$0x1] =	stream.linear.gather @!p0 [hbm4b:s14+s15], $0x4000, $0x38;
	[tilespmem:$0x10000] =	vst v63  }
0x19: {  	p0 =	sge.u32 s31, s6  }
.Ltmp2:
0x1a: {  	_ = 	snop;
	(pc) =	sbr.rel @p0 .LBB1_9-.Ltmp2, $1  }
0x1b: {  	_ =	sdelay $0x3  }
0x1c: {  	s13 =	sshll.u32 s9, $0x2  }
0x1d: {  	_ =	swait.ge [sflag:s5], $0x4000;
	s14 =	sshll.u32 s11, $0xE;
	s16 =	simm.s32 $0x0  }
0x1e: {  	p1 =	por $0x1, $0x1;
	s13 =	sand.u32 $0x10000, s13;
	[sflag:s5] =	ssyncset.done $0x0  }
0x1f: {  	s14 =	sand.u32 $0x4000, s14;
	s15 =	sshrl.u32 s13, $0x2;
	[sflag:s5] =	ssyncadd.s32 $0xFFFFC000  }
0x20: {  	s13 =	sor.u32 $0x8000, s14;
	s14 =	sadd.s32 $0x8040, s15;
	s15 =	sadd.s32 $0x40, s15  }
.LBB1_3:
0x21: {  	s16 =	sshll.u32 s16, $0x2  }
0x22: {  	p0 =	por p1, p1;
	s17 =	sshra.s32 s16, $0x2  }
0x23: {  	s18 =	simm.s32 $0x0;
	s16 =	sadd.s32 s17, s14;
	s17 =	sadd.s32 s17, s15  }
.LBB1_4:
0x24: {  	v0 =	vmov s17;
	_ =	sdelay $0x3  }
0x25: {  	s20 =	simm.s32 $0x0  }
0x26: {  	v6 =	vld.idx.msk [tilespmem:v0+s20+$0x30 ss:$0x1], $0xffff  }
0x27: {  	v7 =	vld.idx.msk [tilespmem:v0+s20+$0xFFFFFFC0 ss:$0x1], $0xffff  }
0x28: {  	v5 =	vld.idx.msk [tilespmem:v0+s20+$0xFFFFFFD0 ss:$0x1], $0xffff  }
0x29: {  	v4 =	vld.idx.msk [tilespmem:v0+s20+$0xFFFFFFE0 ss:$0x1], $0xffff  }
0x2a: {  	v3 =	vld.idx.msk [tilespmem:v0+s20+$0xFFFFFFF0 ss:$0x1], $0xffff  }
0x2b: {  	v1 =	vld.idx.msk [tilespmem:v0+s20+$0x0 ss:$0x1], $0xffff  }
0x2c: {  	v2 =	vld.idx.msk [tilespmem:v0+s20+$0x10 ss:$0x1], $0xffff;
	[tilespmem:s16+$0x30] =	vst v6  }
0x2d: {  	s19 =	simm.s32 $0x80;
	s21 =	simm.s32 $0x400;
	[tilespmem:s16+$0xFFFFFFC0] =	vst v7;
	v6 =	vld.idx.msk [tilespmem:v0+s20+$0x20 ss:$0x1], $0xffff;
	s20 =	smov.u32 s16  }
.LBB1_5:
0x2e: {  	p1 =	sne.s32 s21, $0xE00;
	v7 =	vld.idx.msk [tilespmem:v0+s19+$0x30 ss:$0x1], $0xffff;
	[tilespmem:s20+$0xFFFFFFD0] =	vst v5  }
0x2f: {  	v8 =	vld.idx.msk [tilespmem:v0+s19+$0xFFFFFFC0 ss:$0x1], $0xffff;
	[tilespmem:s20+$0xFFFFFFE0] =	vst v4  }
0x30: {  	v5 =	vld.idx.msk [tilespmem:v0+s19+$0xFFFFFFD0 ss:$0x1], $0xffff;
	[tilespmem:s20+$0xFFFFFFF0] =	vst v3  }
.Ltmp3:
0x31: {  	v4 =	vld.idx.msk [tilespmem:v0+s19+$0xFFFFFFE0 ss:$0x1], $0xffff;
	[tilespmem:s20+$0x0] =	vst v1;
	(pc) =	sbr.rel @p1 .LBB1_5-.Ltmp3, $4  }
0x32: {  	v3 =	vld.idx.msk [tilespmem:v0+s19+$0xFFFFFFF0 ss:$0x1], $0xffff;
	[tilespmem:s20+$0x10] =	vst v2  }
0x33: {  	v1 =	vld.idx.msk [tilespmem:v0+s19+$0x0 ss:$0x1], $0xffff;
	[tilespmem:s20+$0x20] =	vst v6;
	s20 =	sadd.s32 $0x400, s20  }
0x34: {  	v2 =	vld.idx.msk [tilespmem:v0+s19+$0x10 ss:$0x1], $0xffff;
	[tilespmem:s20+$0x30] =	vst v7  }
0x35: {  	[tilespmem:s20+$0xFFFFFFC0] =	vst v8;
	v6 =	vld.idx.msk [tilespmem:v0+s19+$0x20 ss:$0x1], $0xffff;
	s19 =	sshra.s32 s21, $0x2;
	s21 =	sadd.s32 $0x200, s21  }
0x36: {  	_ =	sdelay $0x2  }
0x37: {  	[tilespmem:s20+$0xFFFFFFD0] =	vst v5  }
0x38: {  	v56 =	vld.idx.msk [tilespmem:v0+s19+$0x30 ss:$0x1], $0xffff;
	[tilespmem:s20+$0xFFFFFFE0] =	vst v4  }
0x39: {  	v57 =	vld.idx.msk [tilespmem:v0+s19+$0xFFFFFFC0 ss:$0x1], $0xffff;
	[tilespmem:s20+$0xFFFFFFF0] =	vst v3  }
0x3a: {  	v58 =	vld.idx.msk [tilespmem:v0+s19+$0xFFFFFFD0 ss:$0x1], $0xffff;
	[tilespmem:s20+$0x0] =	vst v1  }
0x3b: {  	v59 =	vld.idx.msk [tilespmem:v0+s19+$0xFFFFFFE0 ss:$0x1], $0xffff;
	[tilespmem:s20+$0x10] =	vst v2  }
0x3c: {  	v60 =	vld.idx.msk [tilespmem:v0+s19+$0xFFFFFFF0 ss:$0x1], $0xffff;
	s31 =	sadd.s32 $0x400, s20;
	[tilespmem:s20+$0x20] =	vst v6  }
0x3d: {  	v61 =	vld.idx.msk [tilespmem:v0+s19+$0x0 ss:$0x1], $0xffff;
	[tilespmem:s31+$0x30] =	vst v56  }
0x3e: {  	v62 =	vld.idx.msk [tilespmem:v0+s19+$0x10 ss:$0x1], $0xffff;
	s18 =	sadd.s32 $0x1, s18;
	[tilespmem:s31+$0xFFFFFFC0] =	vst v57  }
0x3f: {  	v63 =	vld.idx.msk [tilespmem:v0+s19+$0x20 ss:$0x1], $0xffff;
	p1 =	sne.s32 s18, $0x8;
	[tilespmem:s31+$0xFFFFFFD0] =	vst v58  }
.Ltmp4:
0x40: {  	[tilespmem:s31+$0xFFFFFFE0] =	vst v59;
	(pc) =	sbr.rel @p1 .LBB1_4-.Ltmp4, $4  }
0x41: {  	[tilespmem:s31+$0xFFFFFFF0] =	vst v60  }
0x42: {  	[tilespmem:s31+$0x0] =	vst v61  }
0x43: {  	[tilespmem:s31+$0x10] =	vst v62  }
0x44: {  	s16 =	sadd.s32 $0x80, s16;
	s17 =	sadd.s32 $0x400, s17;
	[tilespmem:s31+$0x20] =	vst v63  }
.Ltmp5:
0x45: {  	(pc) =	sbr.rel @p0 .LBB1_3-.Ltmp5, $2  }
0x46: {  	_ =	sdelay $0x2  }
0x47: {  	s16 =	simm.s32 $0x2000;
	p1 =	por $0x0, $0x0  }
.Ltmp6:
0x48: {  	(pc) =	sbr.rel .LBB1_9-.Ltmp6, $4  }
0x49: {  	_ = 	snop  }
0x4a: {  	s12 =	sshll.u32 s12, $0xA  }
0x4b: {  	s12 =	sadd.s32 s4, s12  }
0x4c: {  	[hbm4b:s12+s8] =	stream.linear.scatter [tilespmem:s13], [sflag:$0x2], $0x4000, $0x38;
	[tilespmem:$0x10000] =	vst v63  }
.LBB1_10:
0x4d: {  	_ =	sfence.sel $0x180000  }
0x4e: {  	s2 =	simm.s32 $0x1;
	[bflag:$0x0] =	sbarrier.arrive $0xFFFF  }
0x4f: {  	s31 =	simm.s32 $0x2;
	[sflag:s2] =	ssyncpa.u1 $0x1  }
0x50: {  	[sflag:s31] =	ssyncpa.u1 $0x1  }
0x51: {  	p0 =	sne.s32 s0, $0x0;
	_ =	strace $0x90000047  }
0x52: {  	s0 =	sadd.s32 @!p0 $0x100000, s1;
	[bflag:$0x2] =	sbarrier.arrive $0xFFFF  }
0x53: {  	[sflag:s0] =	ssyncadd.tile.s32 @!p0 $0x1;
	_ =	shalt  }
.Lfunc_end1:
_tile_overlayer_lowered:
.L_overlay_start_2:
0x54: {  	(tag) =	ssettag $0x2  }
0x55: {  	s0 =	rddreg [dreg:$0x0];
	s2 =	stileid.u32  }
0x56: {  	s1 =	rddreg [dreg:$0x1];
	p0 =	sne.s32 s2, $0x0  }
0x57: {  	s3 =	rddreg [dreg:$0x2];
	[bflag:$0x3] =	sbarrier.arrive $0xFFFF;
	s2 =	simm.s32 @!p0 $0x1C01  }
0x58: {  	[timem:s3], [sflag:s2] =	dma.local @!p0 [hbm:s0], s1  }
0x59: {  	s0 =	simm.s32 @!p0 $0x1  }
0x5a: {  	_ =	swait.ge @!p0 [sflag:s0], s1  }
0x5b: {  	s1 =	ssub.s32 @!p0 $0x0, s1;
	[sflag:s0] =	ssyncset.done @!p0 $0x0  }
0x5c: {  	[sflag:s0] =	ssyncadd.s32 @!p0 s1  }
0x5d: {  	[bflag:$0x3] =	sbarrier.arrive $0xFFFF  }
0x5e: {  	_ =	shalt  }

</sc_bundles>
